<compile_context>
chip_gen: v7x
topology: tpu7x:2x2x1
jax: 0.10.2.dev20260603
libtpu: 0.0.44.dev20260713+nightly
codegen_flags: <defaults>
</compile_context>

<pallas_src>
import functools

import jax
from jax import lax
from jax.experimental import pallas as pl
from jax.experimental.pallas import tpu as pltpu
from jax.experimental.pallas import tpu_sc as plsc

_NUM_CORES = 2
_NUM_SUBCORES = 16
_NUM_WORKERS = _NUM_CORES * _NUM_SUBCORES


def _make_sc_broadcast(S, B, D, dtype):
    rows_per_worker = S // _NUM_WORKERS
    chunk = 16
    nchunk = rows_per_worker // chunk
    mesh = plsc.VectorSubcoreMesh(core_axis_name="c", subcore_axis_name="s")

    @functools.partial(
        pl.kernel,
        mesh=mesh,
        out_type=jax.ShapeDtypeStruct((S, B, D), dtype),
        scratch_types=[
            pltpu.VMEM((chunk, D), dtype),
            pltpu.VMEM((chunk, D), dtype),
            pltpu.VMEM((chunk, D), dtype),
            pltpu.SemaphoreType.DMA,
            pltpu.SemaphoreType.DMA,
        ],
    )
    def sc_broadcast(table_hbm, out_hbm, buf0, buf1, buf2, gsem, ssem):
        wid = lax.axis_index("s") * _NUM_CORES + lax.axis_index("c")
        base = wid * rows_per_worker
        bufs = (buf0, buf1, buf2)
        nbuf = len(bufs)
        gathers = [None] * nchunk
        scatters = [[] for _ in range(nchunk)]
        for j in range(nbuf):
            gathers[j] = pltpu.async_copy(
                table_hbm.at[pl.ds(base + j * chunk, chunk)], bufs[j], gsem
            )
        for i in range(nchunk):
            gathers[i].wait()
            for b in range(B):
                scatters[i].append(
                    pltpu.async_copy(
                        bufs[i % nbuf],
                        out_hbm.at[pl.ds(base + i * chunk, chunk), b],
                        ssem,
                    )
                )
            if i >= 1 and i + 2 < nchunk:
                for c in scatters[i - 1]:
                    c.wait()
                gathers[i + 2] = pltpu.async_copy(
                    table_hbm.at[pl.ds(base + (i + 2) * chunk, chunk)],
                    bufs[(i + 2) % nbuf],
                    gsem,
                )
        for i in range(max(0, nchunk - 3), nchunk):
            for c in scatters[i]:
                c.wait()

    return sc_broadcast


def kernel(x, pos_embed_weight):
    S, B, _ = x.shape
    _, D = pos_embed_weight.shape
    fn = _make_sc_broadcast(S, B, D, pos_embed_weight.dtype)
    return fn(pos_embed_weight[:S])

# --- scband reference (transcript-rebuilt; emitter-appended) ---
"""Pipeline reference for scband-positional-encoding-lut-10393820856358 (READ-ONLY COPY).

The authoritative reference and input builder live on the scoring server;
editing this copy changes nothing except your own understanding.
"""

import jax, jax.numpy as jnp
import numpy as np

D_MODEL = 2048
MAX_LEN = 2048
SEQ = 2048
BATCH = 4

def setup_inputs(seed: int = 0) -> dict:
    key = jax.random.key(seed)
    k1, k2 = jax.random.split(key)
    x = jax.random.normal(k1, (SEQ, BATCH, D_MODEL), dtype=jnp.float32)
    # kaiming_normal_(fan_in) on [max_len, d_model]: fan_in = d_model, std = sqrt(2/fan_in)
    pos_embed_weight = jax.random.normal(k2, (MAX_LEN, D_MODEL), dtype=jnp.float32) * jnp.sqrt(2.0 / D_MODEL)
    return {"x": x, "pos_embed_weight": pos_embed_weight}

def reference(x, pos_embed_weight):
    # pos = position[:x.size(0)]  -> [S, 1]
    # x = pos_embed(pos).repeat(1, B, 1) -> [S, B, d_model]
    # dropout is identity in eval mode
    S = x.shape[0]
    B = x.shape[1]
    pos = jnp.arange(S, dtype=jnp.int32)
    emb = jnp.take(pos_embed_weight, pos, axis=0)  # [S, d_model]
    out = jnp.tile(emb[:, None, :], (1, B, 1))     # [S, B, d_model]
    return out

if __name__ == "__main__":
    import jax
    _d = setup_inputs()
    print(jax.jit(kernel)(*tuple(_d.values())))

</pallas_src>

<mosaic_0001>
#map = affine_map<(d0, d1) -> (0, 0)>
#map1 = affine_map<(d0, d1) -> (0, 0, 0)>
module attributes {stable_mosaic.version = 14 : i64} {
  func.func @sc_broadcast(%arg0: i32, %arg1: i32, %arg2: memref<2048x2048xf32, #tpu.memory_space<hbm>>, %arg3: memref<2048x4x2048xf32, #tpu.memory_space<hbm>>, %arg4: memref<16x2048xf32, #tpu.memory_space<vmem>>, %arg5: memref<16x2048xf32, #tpu.memory_space<vmem>>, %arg6: memref<16x2048xf32, #tpu.memory_space<vmem>>, %arg7: memref<!tpu.dma_semaphore, #tpu.memory_space<semaphore_mem>>, %arg8: memref<!tpu.dma_semaphore, #tpu.memory_space<semaphore_mem>>) attributes {dimension_semantics = [#tpu.dimension_semantics<core_parallel>, #tpu.dimension_semantics<subcore_parallel>], iteration_bounds = array<i64: 2, 16>, scalar_prefetch = 0 : i64, scratch_operands = 5 : i64, tpu.core_type = #tpu.core_type<sc_vector_subcore>, window_params = [{transform_indices = #map}, {transform_indices = #map1}]} {
    %mul3A = arith.constant 2 : i32
    %mul3A_0 = arith.muli %arg1, %mul3A : i32
    %add3A = arith.addi %mul3A_0, %arg0 : i32
    %mul3A_1 = arith.constant 64 : i32
    %mul3A_2 = arith.muli %add3A, %mul3A_1 : i32
    %add3A_3 = arith.constant 0 : i32
    %add3A_4 = arith.addi %mul3A_2, %add3A_3 : i32
    %dma_start3A = arith.constant 0 : i32
    %dma_start3A_5 = tpu.memref_slice %arg2[%add3A_4, %dma_start3A] : memref<2048x2048xf32, #tpu.memory_space<hbm>> -> memref<16x2048xf32, #tpu.memory_space<hbm>>
    %dma_start3A_6 = arith.constant 0 : i32
    %dma_start3A_7 = tpu.memref_slice %arg2[%add3A_4, %dma_start3A_6] : memref<2048x2048xf32, #tpu.memory_space<hbm>> -> memref<16x2048xf32, #tpu.memory_space<hbm>>
    tpu.enqueue_dma source(%dma_start3A_7 : memref<16x2048xf32, #tpu.memory_space<hbm>>) target(%arg4 : memref<16x2048xf32, #tpu.memory_space<vmem>>) target_semaphore(%arg7 : memref<!tpu.dma_semaphore, #tpu.memory_space<semaphore_mem>>)
    %add3A_8 = arith.constant 16 : i32
    %add3A_9 = arith.addi %mul3A_2, %add3A_8 : i32
    %dma_start3A_10 = arith.constant 0 : i32
    %dma_start3A_11 = tpu.memref_slice %arg2[%add3A_9, %dma_start3A_10] : memref<2048x2048xf32, #tpu.memory_space<hbm>> -> memref<16x2048xf32, #tpu.memory_space<hbm>>
    %dma_start3A_12 = arith.constant 0 : i32
    %dma_start3A_13 = tpu.memref_slice %arg2[%add3A_9, %dma_start3A_12] : memref<2048x2048xf32, #tpu.memory_space<hbm>> -> memref<16x2048xf32, #tpu.memory_space<hbm>>
    tpu.enqueue_dma source(%dma_start3A_13 : memref<16x2048xf32, #tpu.memory_space<hbm>>) target(%arg5 : memref<16x2048xf32, #tpu.memory_space<vmem>>) target_semaphore(%arg7 : memref<!tpu.dma_semaphore, #tpu.memory_space<semaphore_mem>>)
    %add3A_14 = arith.constant 32 : i32
    %add3A_15 = arith.addi %mul3A_2, %add3A_14 : i32
    %dma_start3A_16 = arith.constant 0 : i32
    %dma_start3A_17 = tpu.memref_slice %arg2[%add3A_15, %dma_start3A_16] : memref<2048x2048xf32, #tpu.memory_space<hbm>> -> memref<16x2048xf32, #tpu.memory_space<hbm>>
    %dma_start3A_18 = arith.constant 0 : i32
    %dma_start3A_19 = tpu.memref_slice %arg2[%add3A_15, %dma_start3A_18] : memref<2048x2048xf32, #tpu.memory_space<hbm>> -> memref<16x2048xf32, #tpu.memory_space<hbm>>
    tpu.enqueue_dma source(%dma_start3A_19 : memref<16x2048xf32, #tpu.memory_space<hbm>>) target(%arg6 : memref<16x2048xf32, #tpu.memory_space<vmem>>) target_semaphore(%arg7 : memref<!tpu.dma_semaphore, #tpu.memory_space<semaphore_mem>>)
    %dma_wait3A = arith.constant 0 : i32
    %dma_wait3A_20 = tpu.memref_slice %arg2[%add3A_4, %dma_wait3A] : memref<2048x2048xf32, #tpu.memory_space<hbm>> -> memref<16x2048xf32, #tpu.memory_space<hbm>>
    %dma_wait3A_21 = arith.constant 0 : i32
    %dma_wait3A_22 = tpu.memref_slice %arg2[%add3A_4, %dma_wait3A_21] : memref<2048x2048xf32, #tpu.memory_space<hbm>> -> memref<16x2048xf32, #tpu.memory_space<hbm>>
    tpu.wait_dma2 semaphore(%arg7 : memref<!tpu.dma_semaphore, #tpu.memory_space<semaphore_mem>>) src(%dma_wait3A_22 : memref<16x2048xf32, #tpu.memory_space<hbm>>) dst(%arg4 : memref<16x2048xf32, #tpu.memory_space<vmem>>)
    %add3A_23 = arith.constant 0 : i32
    %add3A_24 = arith.addi %mul3A_2, %add3A_23 : i32
    %dma_start3A_25 = arith.constant 0 : i32
    %dma_start3A_26 = arith.constant 0 : i32
    %dma_start3A_27 = tpu.memref_slice %arg3[%add3A_24, %dma_start3A_25, %dma_start3A_26] : memref<2048x4x2048xf32, #tpu.memory_space<hbm>> -> memref<16x1x2048xf32, #tpu.memory_space<hbm>>
    %dma_start3A_28 = tpu.memref_squeeze %dma_start3A_27 : memref<16x1x2048xf32, #tpu.memory_space<hbm>> -> memref<16x2048xf32, #tpu.memory_space<hbm>>
    %dma_start3A_29 = arith.constant 0 : i32
    %dma_start3A_30 = tpu.memref_slice %arg3[%add3A_24, %dma_start3A_25, %dma_start3A_29] : memref<2048x4x2048xf32, #tpu.memory_space<hbm>> -> memref<16x1x2048xf32, #tpu.memory_space<hbm>>
    %dma_start3A_31 = tpu.memref_squeeze %dma_start3A_30 : memref<16x1x2048xf32, #tpu.memory_space<hbm>> -> memref<16x2048xf32, #tpu.memory_space<hbm>>
    tpu.enqueue_dma source(%arg4 : memref<16x2048xf32, #tpu.memory_space<vmem>>) target(%dma_start3A_31 : memref<16x2048xf32, #tpu.memory_space<hbm>>) target_semaphore(%arg8 : memref<!tpu.dma_semaphore, #tpu.memory_space<semaphore_mem>>)
    %add3A_32 = arith.constant 0 : i32
    %add3A_33 = arith.addi %mul3A_2, %add3A_32 : i32
    %dma_start3A_34 = arith.constant 1 : i32
    %dma_start3A_35 = arith.constant 0 : i32
    %dma_start3A_36 = tpu.memref_slice %arg3[%add3A_33, %dma_start3A_34, %dma_start3A_35] : memref<2048x4x2048xf32, #tpu.memory_space<hbm>> -> memref<16x1x2048xf32, #tpu.memory_space<hbm>>
    %dma_start3A_37 = tpu.memref_squeeze %dma_start3A_36 : memref<16x1x2048xf32, #tpu.memory_space<hbm>> -> memref<16x2048xf32, #tpu.memory_space<hbm>>
    %dma_start3A_38 = arith.constant 0 : i32
    %dma_start3A_39 = tpu.memref_slice %arg3[%add3A_33, %dma_start3A_34, %dma_start3A_38] : memref<2048x4x2048xf32, #tpu.memory_space<hbm>> -> memref<16x1x2048xf32, #tpu.memory_space<hbm>>
    %dma_start3A_40 = tpu.memref_squeeze %dma_start3A_39 : memref<16x1x2048xf32, #tpu.memory_space<hbm>> -> memref<16x2048xf32, #tpu.memory_space<hbm>>
    tpu.enqueue_dma source(%arg4 : memref<16x2048xf32, #tpu.memory_space<vmem>>) target(%dma_start3A_40 : memref<16x2048xf32, #tpu.memory_space<hbm>>) target_semaphore(%arg8 : memref<!tpu.dma_semaphore, #tpu.memory_space<semaphore_mem>>)
    %add3A_41 = arith.constant 0 : i32
    %add3A_42 = arith.addi %mul3A_2, %add3A_41 : i32
    %dma_start3A_43 = arith.constant 2 : i32
    %dma_start3A_44 = arith.constant 0 : i32
    %dma_start3A_45 = tpu.memref_slice %arg3[%add3A_42, %dma_start3A_43, %dma_start3A_44] : memref<2048x4x2048xf32, #tpu.memory_space<hbm>> -> memref<16x1x2048xf32, #tpu.memory_space<hbm>>
    %dma_start3A_46 = tpu.memref_squeeze %dma_start3A_45 : memref<16x1x2048xf32, #tpu.memory_space<hbm>> -> memref<16x2048xf32, #tpu.memory_space<hbm>>
    %dma_start3A_47 = arith.constant 0 : i32
    %dma_start3A_48 = tpu.memref_slice %arg3[%add3A_42, %dma_start3A_43, %dma_start3A_47] : memref<2048x4x2048xf32, #tpu.memory_space<hbm>> -> memref<16x1x2048xf32, #tpu.memory_space<hbm>>
    %dma_start3A_49 = tpu.memref_squeeze %dma_start3A_48 : memref<16x1x2048xf32, #tpu.memory_space<hbm>> -> memref<16x2048xf32, #tpu.memory_space<hbm>>
    tpu.enqueue_dma source(%arg4 : memref<16x2048xf32, #tpu.memory_space<vmem>>) target(%dma_start3A_49 : memref<16x2048xf32, #tpu.memory_space<hbm>>) target_semaphore(%arg8 : memref<!tpu.dma_semaphore, #tpu.memory_space<semaphore_mem>>)
    %add3A_50 = arith.constant 0 : i32
    %add3A_51 = arith.addi %mul3A_2, %add3A_50 : i32
    %dma_start3A_52 = arith.constant 3 : i32
    %dma_start3A_53 = arith.constant 0 : i32
    %dma_start3A_54 = tpu.memref_slice %arg3[%add3A_51, %dma_start3A_52, %dma_start3A_53] : memref<2048x4x2048xf32, #tpu.memory_space<hbm>> -> memref<16x1x2048xf32, #tpu.memory_space<hbm>>
    %dma_start3A_55 = tpu.memref_squeeze %dma_start3A_54 : memref<16x1x2048xf32, #tpu.memory_space<hbm>> -> memref<16x2048xf32, #tpu.memory_space<hbm>>
    %dma_start3A_56 = arith.constant 0 : i32
    %dma_start3A_57 = tpu.memref_slice %arg3[%add3A_51, %dma_start3A_52, %dma_start3A_56] : memref<2048x4x2048xf32, #tpu.memory_space<hbm>> -> memref<16x1x2048xf32, #tpu.memory_space<hbm>>
    %dma_start3A_58 = tpu.memref_squeeze %dma_start3A_57 : memref<16x1x2048xf32, #tpu.memory_space<hbm>> -> memref<16x2048xf32, #tpu.memory_space<hbm>>
    tpu.enqueue_dma source(%arg4 : memref<16x2048xf32, #tpu.memory_space<vmem>>) target(%dma_start3A_58 : memref<16x2048xf32, #tpu.memory_space<hbm>>) target_semaphore(%arg8 : memref<!tpu.dma_semaphore, #tpu.memory_space<semaphore_mem>>)
    %dma_wait3A_59 = arith.constant 0 : i32
    %dma_wait3A_60 = tpu.memref_slice %arg2[%add3A_9, %dma_wait3A_59] : memref<2048x2048xf32, #tpu.memory_space<hbm>> -> memref<16x2048xf32, #tpu.memory_space<hbm>>
    %dma_wait3A_61 = arith.constant 0 : i32
    %dma_wait3A_62 = tpu.memref_slice %arg2[%add3A_9, %dma_wait3A_61] : memref<2048x2048xf32, #tpu.memory_space<hbm>> -> memref<16x2048xf32, #tpu.memory_space<hbm>>
    tpu.wait_dma2 semaphore(%arg7 : memref<!tpu.dma_semaphore, #tpu.memory_space<semaphore_mem>>) src(%dma_wait3A_62 : memref<16x2048xf32, #tpu.memory_space<hbm>>) dst(%arg5 : memref<16x2048xf32, #tpu.memory_space<vmem>>)
    %add3A_63 = arith.constant 16 : i32
    %add3A_64 = arith.addi %mul3A_2, %add3A_63 : i32
    %dma_start3A_65 = arith.constant 0 : i32
    %dma_start3A_66 = arith.constant 0 : i32
    %dma_start3A_67 = tpu.memref_slice %arg3[%add3A_64, %dma_start3A_65, %dma_start3A_66] : memref<2048x4x2048xf32, #tpu.memory_space<hbm>> -> memref<16x1x2048xf32, #tpu.memory_space<hbm>>
    %dma_start3A_68 = tpu.memref_squeeze %dma_start3A_67 : memref<16x1x2048xf32, #tpu.memory_space<hbm>> -> memref<16x2048xf32, #tpu.memory_space<hbm>>
    %dma_start3A_69 = arith.constant 0 : i32
    %dma_start3A_70 = tpu.memref_slice %arg3[%add3A_64, %dma_start3A_65, %dma_start3A_69] : memref<2048x4x2048xf32, #tpu.memory_space<hbm>> -> memref<16x1x2048xf32, #tpu.memory_space<hbm>>
    %dma_start3A_71 = tpu.memref_squeeze %dma_start3A_70 : memref<16x1x2048xf32, #tpu.memory_space<hbm>> -> memref<16x2048xf32, #tpu.memory_space<hbm>>
    tpu.enqueue_dma source(%arg5 : memref<16x2048xf32, #tpu.memory_space<vmem>>) target(%dma_start3A_71 : memref<16x2048xf32, #tpu.memory_space<hbm>>) target_semaphore(%arg8 : memref<!tpu.dma_semaphore, #tpu.memory_space<semaphore_mem>>)
    %add3A_72 = arith.constant 16 : i32
    %add3A_73 = arith.addi %mul3A_2, %add3A_72 : i32
    %dma_start3A_74 = arith.constant 1 : i32
    %dma_start3A_75 = arith.constant 0 : i32
    %dma_start3A_76 = tpu.memref_slice %arg3[%add3A_73, %dma_start3A_74, %dma_start3A_75] : memref<2048x4x2048xf32, #tpu.memory_space<hbm>> -> memref<16x1x2048xf32, #tpu.memory_space<hbm>>
    %dma_start3A_77 = tpu.memref_squeeze %dma_start3A_76 : memref<16x1x2048xf32, #tpu.memory_space<hbm>> -> memref<16x2048xf32, #tpu.memory_space<hbm>>
    %dma_start3A_78 = arith.constant 0 : i32
    %dma_start3A_79 = tpu.memref_slice %arg3[%add3A_73, %dma_start3A_74, %dma_start3A_78] : memref<2048x4x2048xf32, #tpu.memory_space<hbm>> -> memref<16x1x2048xf32, #tpu.memory_space<hbm>>
    %dma_start3A_80 = tpu.memref_squeeze %dma_start3A_79 : memref<16x1x2048xf32, #tpu.memory_space<hbm>> -> memref<16x2048xf32, #tpu.memory_space<hbm>>
    tpu.enqueue_dma source(%arg5 : memref<16x2048xf32, #tpu.memory_space<vmem>>) target(%dma_start3A_80 : memref<16x2048xf32, #tpu.memory_space<hbm>>) target_semaphore(%arg8 : memref<!tpu.dma_semaphore, #tpu.memory_space<semaphore_mem>>)
    %add3A_81 = arith.constant 16 : i32
    %add3A_82 = arith.addi %mul3A_2, %add3A_81 : i32
    %dma_start3A_83 = arith.constant 2 : i32
    %dma_start3A_84 = arith.constant 0 : i32
    %dma_start3A_85 = tpu.memref_slice %arg3[%add3A_82, %dma_start3A_83, %dma_start3A_84] : memref<2048x4x2048xf32, #tpu.memory_space<hbm>> -> memref<16x1x2048xf32, #tpu.memory_space<hbm>>
    %dma_start3A_86 = tpu.memref_squeeze %dma_start3A_85 : memref<16x1x2048xf32, #tpu.memory_space<hbm>> -> memref<16x2048xf32, #tpu.memory_space<hbm>>
    %dma_start3A_87 = arith.constant 0 : i32
    %dma_start3A_88 = tpu.memref_slice %arg3[%add3A_82, %dma_start3A_83, %dma_start3A_87] : memref<2048x4x2048xf32, #tpu.memory_space<hbm>> -> memref<16x1x2048xf32, #tpu.memory_space<hbm>>
    %dma_start3A_89 = tpu.memref_squeeze %dma_start3A_88 : memref<16x1x2048xf32, #tpu.memory_space<hbm>> -> memref<16x2048xf32, #tpu.memory_space<hbm>>
    tpu.enqueue_dma source(%arg5 : memref<16x2048xf32, #tpu.memory_space<vmem>>) target(%dma_start3A_89 : memref<16x2048xf32, #tpu.memory_space<hbm>>) target_semaphore(%arg8 : memref<!tpu.dma_semaphore, #tpu.memory_space<semaphore_mem>>)
    %add3A_90 = arith.constant 16 : i32
    %add3A_91 = arith.addi %mul3A_2, %add3A_90 : i32
    %dma_start3A_92 = arith.constant 3 : i32
    %dma_start3A_93 = arith.constant 0 : i32
    %dma_start3A_94 = tpu.memref_slice %arg3[%add3A_91, %dma_start3A_92, %dma_start3A_93] : memref<2048x4x2048xf32, #tpu.memory_space<hbm>> -> memref<16x1x2048xf32, #tpu.memory_space<hbm>>
    %dma_start3A_95 = tpu.memref_squeeze %dma_start3A_94 : memref<16x1x2048xf32, #tpu.memory_space<hbm>> -> memref<16x2048xf32, #tpu.memory_space<hbm>>
    %dma_start3A_96 = arith.constant 0 : i32
    %dma_start3A_97 = tpu.memref_slice %arg3[%add3A_91, %dma_start3A_92, %dma_start3A_96] : memref<2048x4x2048xf32, #tpu.memory_space<hbm>> -> memref<16x1x2048xf32, #tpu.memory_space<hbm>>
    %dma_start3A_98 = tpu.memref_squeeze %dma_start3A_97 : memref<16x1x2048xf32, #tpu.memory_space<hbm>> -> memref<16x2048xf32, #tpu.memory_space<hbm>>
    tpu.enqueue_dma source(%arg5 : memref<16x2048xf32, #tpu.memory_space<vmem>>) target(%dma_start3A_98 : memref<16x2048xf32, #tpu.memory_space<hbm>>) target_semaphore(%arg8 : memref<!tpu.dma_semaphore, #tpu.memory_space<semaphore_mem>>)
    %dma_wait3A_99 = arith.constant 0 : i32
    %dma_wait3A_100 = arith.constant 0 : i32
    %dma_wait3A_101 = tpu.memref_slice %arg3[%add3A_24, %dma_wait3A_99, %dma_wait3A_100] : memref<2048x4x2048xf32, #tpu.memory_space<hbm>> -> memref<16x1x2048xf32, #tpu.memory_space<hbm>>
    %dma_wait3A_102 = tpu.memref_squeeze %dma_wait3A_101 : memref<16x1x2048xf32, #tpu.memory_space<hbm>> -> memref<16x2048xf32, #tpu.memory_space<hbm>>
    %dma_wait3A_103 = arith.constant 0 : i32
    %dma_wait3A_104 = tpu.memref_slice %arg3[%add3A_24, %dma_wait3A_99, %dma_wait3A_103] : memref<2048x4x2048xf32, #tpu.memory_space<hbm>> -> memref<16x1x2048xf32, #tpu.memory_space<hbm>>
    %dma_wait3A_105 = tpu.memref_squeeze %dma_wait3A_104 : memref<16x1x2048xf32, #tpu.memory_space<hbm>> -> memref<16x2048xf32, #tpu.memory_space<hbm>>
    tpu.wait_dma2 semaphore(%arg8 : memref<!tpu.dma_semaphore, #tpu.memory_space<semaphore_mem>>) src(%arg4 : memref<16x2048xf32, #tpu.memory_space<vmem>>) dst(%dma_wait3A_105 : memref<16x2048xf32, #tpu.memory_space<hbm>>)
    %dma_wait3A_106 = arith.constant 1 : i32
    %dma_wait3A_107 = arith.constant 0 : i32
    %dma_wait3A_108 = tpu.memref_slice %arg3[%add3A_33, %dma_wait3A_106, %dma_wait3A_107] : memref<2048x4x2048xf32, #tpu.memory_space<hbm>> -> memref<16x1x2048xf32, #tpu.memory_space<hbm>>
    %dma_wait3A_109 = tpu.memref_squeeze %dma_wait3A_108 : memref<16x1x2048xf32, #tpu.memory_space<hbm>> -> memref<16x2048xf32, #tpu.memory_space<hbm>>
    %dma_wait3A_110 = arith.constant 0 : i32
    %dma_wait3A_111 = tpu.memref_slice %arg3[%add3A_33, %dma_wait3A_106, %dma_wait3A_110] : memref<2048x4x2048xf32, #tpu.memory_space<hbm>> -> memref<16x1x2048xf32, #tpu.memory_space<hbm>>
    %dma_wait3A_112 = tpu.memref_squeeze %dma_wait3A_111 : memref<16x1x2048xf32, #tpu.memory_space<hbm>> -> memref<16x2048xf32, #tpu.memory_space<hbm>>
    tpu.wait_dma2 semaphore(%arg8 : memref<!tpu.dma_semaphore, #tpu.memory_space<semaphore_mem>>) src(%arg4 : memref<16x2048xf32, #tpu.memory_space<vmem>>) dst(%dma_wait3A_112 : memref<16x2048xf32, #tpu.memory_space<hbm>>)
    %dma_wait3A_113 = arith.constant 2 : i32
    %dma_wait3A_114 = arith.constant 0 : i32
    %dma_wait3A_115 = tpu.memref_slice %arg3[%add3A_42, %dma_wait3A_113, %dma_wait3A_114] : memref<2048x4x2048xf32, #tpu.memory_space<hbm>> -> memref<16x1x2048xf32, #tpu.memory_space<hbm>>
    %dma_wait3A_116 = tpu.memref_squeeze %dma_wait3A_115 : memref<16x1x2048xf32, #tpu.memory_space<hbm>> -> memref<16x2048xf32, #tpu.memory_space<hbm>>
    %dma_wait3A_117 = arith.constant 0 : i32
    %dma_wait3A_118 = tpu.memref_slice %arg3[%add3A_42, %dma_wait3A_113, %dma_wait3A_117] : memref<2048x4x2048xf32, #tpu.memory_space<hbm>> -> memref<16x1x2048xf32, #tpu.memory_space<hbm>>
    %dma_wait3A_119 = tpu.memref_squeeze %dma_wait3A_118 : memref<16x1x2048xf32, #tpu.memory_space<hbm>> -> memref<16x2048xf32, #tpu.memory_space<hbm>>
    tpu.wait_dma2 semaphore(%arg8 : memref<!tpu.dma_semaphore, #tpu.memory_space<semaphore_mem>>) src(%arg4 : memref<16x2048xf32, #tpu.memory_space<vmem>>) dst(%dma_wait3A_119 : memref<16x2048xf32, #tpu.memory_space<hbm>>)
    %dma_wait3A_120 = arith.constant 3 : i32
    %dma_wait3A_121 = arith.constant 0 : i32
    %dma_wait3A_122 = tpu.memref_slice %arg3[%add3A_51, %dma_wait3A_120, %dma_wait3A_121] : memref<2048x4x2048xf32, #tpu.memory_space<hbm>> -> memref<16x1x2048xf32, #tpu.memory_space<hbm>>
    %dma_wait3A_123 = tpu.memref_squeeze %dma_wait3A_122 : memref<16x1x2048xf32, #tpu.memory_space<hbm>> -> memref<16x2048xf32, #tpu.memory_space<hbm>>
    %dma_wait3A_124 = arith.constant 0 : i32
    %dma_wait3A_125 = tpu.memref_slice %arg3[%add3A_51, %dma_wait3A_120, %dma_wait3A_124] : memref<2048x4x2048xf32, #tpu.memory_space<hbm>> -> memref<16x1x2048xf32, #tpu.memory_space<hbm>>
    %dma_wait3A_126 = tpu.memref_squeeze %dma_wait3A_125 : memref<16x1x2048xf32, #tpu.memory_space<hbm>> -> memref<16x2048xf32, #tpu.memory_space<hbm>>
    tpu.wait_dma2 semaphore(%arg8 : memref<!tpu.dma_semaphore, #tpu.memory_space<semaphore_mem>>) src(%arg4 : memref<16x2048xf32, #tpu.memory_space<vmem>>) dst(%dma_wait3A_126 : memref<16x2048xf32, #tpu.memory_space<hbm>>)
    %add3A_127 = arith.constant 48 : i32
    %add3A_128 = arith.addi %mul3A_2, %add3A_127 : i32
    %dma_start3A_129 = arith.constant 0 : i32
    %dma_start3A_130 = tpu.memref_slice %arg2[%add3A_128, %dma_start3A_129] : memref<2048x2048xf32, #tpu.memory_space<hbm>> -> memref<16x2048xf32, #tpu.memory_space<hbm>>
    %dma_start3A_131 = arith.constant 0 : i32
    %dma_start3A_132 = tpu.memref_slice %arg2[%add3A_128, %dma_start3A_131] : memref<2048x2048xf32, #tpu.memory_space<hbm>> -> memref<16x2048xf32, #tpu.memory_space<hbm>>
    tpu.enqueue_dma source(%dma_start3A_132 : memref<16x2048xf32, #tpu.memory_space<hbm>>) target(%arg4 : memref<16x2048xf32, #tpu.memory_space<vmem>>) target_semaphore(%arg7 : memref<!tpu.dma_semaphore, #tpu.memory_space<semaphore_mem>>)
    %dma_wait3A_133 = arith.constant 0 : i32
    %dma_wait3A_134 = tpu.memref_slice %arg2[%add3A_15, %dma_wait3A_133] : memref<2048x2048xf32, #tpu.memory_space<hbm>> -> memref<16x2048xf32, #tpu.memory_space<hbm>>
    %dma_wait3A_135 = arith.constant 0 : i32
    %dma_wait3A_136 = tpu.memref_slice %arg2[%add3A_15, %dma_wait3A_135] : memref<2048x2048xf32, #tpu.memory_space<hbm>> -> memref<16x2048xf32, #tpu.memory_space<hbm>>
    tpu.wait_dma2 semaphore(%arg7 : memref<!tpu.dma_semaphore, #tpu.memory_space<semaphore_mem>>) src(%dma_wait3A_136 : memref<16x2048xf32, #tpu.memory_space<hbm>>) dst(%arg6 : memref<16x2048xf32, #tpu.memory_space<vmem>>)
    %add3A_137 = arith.constant 32 : i32
    %add3A_138 = arith.addi %mul3A_2, %add3A_137 : i32
    %dma_start3A_139 = arith.constant 0 : i32
    %dma_start3A_140 = arith.constant 0 : i32
    %dma_start3A_141 = tpu.memref_slice %arg3[%add3A_138, %dma_start3A_139, %dma_start3A_140] : memref<2048x4x2048xf32, #tpu.memory_space<hbm>> -> memref<16x1x2048xf32, #tpu.memory_space<hbm>>
    %dma_start3A_142 = tpu.memref_squeeze %dma_start3A_141 : memref<16x1x2048xf32, #tpu.memory_space<hbm>> -> memref<16x2048xf32, #tpu.memory_space<hbm>>
    %dma_start3A_143 = arith.constant 0 : i32
    %dma_start3A_144 = tpu.memref_slice %arg3[%add3A_138, %dma_start3A_139, %dma_start3A_143] : memref<2048x4x2048xf32, #tpu.memory_space<hbm>> -> memref<16x1x2048xf32, #tpu.memory_space<hbm>>
    %dma_start3A_145 = tpu.memref_squeeze %dma_start3A_144 : memref<16x1x2048xf32, #tpu.memory_space<hbm>> -> memref<16x2048xf32, #tpu.memory_space<hbm>>
    tpu.enqueue_dma source(%arg6 : memref<16x2048xf32, #tpu.memory_space<vmem>>) target(%dma_start3A_145 : memref<16x2048xf32, #tpu.memory_space<hbm>>) target_semaphore(%arg8 : memref<!tpu.dma_semaphore, #tpu.memory_space<semaphore_mem>>)
    %add3A_146 = arith.constant 32 : i32
    %add3A_147 = arith.addi %mul3A_2, %add3A_146 : i32
    %dma_start3A_148 = arith.constant 1 : i32
    %dma_start3A_149 = arith.constant 0 : i32
    %dma_start3A_150 = tpu.memref_slice %arg3[%add3A_147, %dma_start3A_148, %dma_start3A_149] : memref<2048x4x2048xf32, #tpu.memory_space<hbm>> -> memref<16x1x2048xf32, #tpu.memory_space<hbm>>
    %dma_start3A_151 = tpu.memref_squeeze %dma_start3A_150 : memref<16x1x2048xf32, #tpu.memory_space<hbm>> -> memref<16x2048xf32, #tpu.memory_space<hbm>>
    %dma_start3A_152 = arith.constant 0 : i32
    %dma_start3A_153 = tpu.memref_slice %arg3[%add3A_147, %dma_start3A_148, %dma_start3A_152] : memref<2048x4x2048xf32, #tpu.memory_space<hbm>> -> memref<16x1x2048xf32, #tpu.memory_space<hbm>>
    %dma_start3A_154 = tpu.memref_squeeze %dma_start3A_153 : memref<16x1x2048xf32, #tpu.memory_space<hbm>> -> memref<16x2048xf32, #tpu.memory_space<hbm>>
    tpu.enqueue_dma source(%arg6 : memref<16x2048xf32, #tpu.memory_space<vmem>>) target(%dma_start3A_154 : memref<16x2048xf32, #tpu.memory_space<hbm>>) target_semaphore(%arg8 : memref<!tpu.dma_semaphore, #tpu.memory_space<semaphore_mem>>)
    %add3A_155 = arith.constant 32 : i32
    %add3A_156 = arith.addi %mul3A_2, %add3A_155 : i32
    %dma_start3A_157 = arith.constant 2 : i32
    %dma_start3A_158 = arith.constant 0 : i32
    %dma_start3A_159 = tpu.memref_slice %arg3[%add3A_156, %dma_start3A_157, %dma_start3A_158] : memref<2048x4x2048xf32, #tpu.memory_space<hbm>> -> memref<16x1x2048xf32, #tpu.memory_space<hbm>>
    %dma_start3A_160 = tpu.memref_squeeze %dma_start3A_159 : memref<16x1x2048xf32, #tpu.memory_space<hbm>> -> memref<16x2048xf32, #tpu.memory_space<hbm>>
    %dma_start3A_161 = arith.constant 0 : i32
    %dma_start3A_162 = tpu.memref_slice %arg3[%add3A_156, %dma_start3A_157, %dma_start3A_161] : memref<2048x4x2048xf32, #tpu.memory_space<hbm>> -> memref<16x1x2048xf32, #tpu.memory_space<hbm>>
    %dma_start3A_163 = tpu.memref_squeeze %dma_start3A_162 : memref<16x1x2048xf32, #tpu.memory_space<hbm>> -> memref<16x2048xf32, #tpu.memory_space<hbm>>
    tpu.enqueue_dma source(%arg6 : memref<16x2048xf32, #tpu.memory_space<vmem>>) target(%dma_start3A_163 : memref<16x2048xf32, #tpu.memory_space<hbm>>) target_semaphore(%arg8 : memref<!tpu.dma_semaphore, #tpu.memory_space<semaphore_mem>>)
    %add3A_164 = arith.constant 32 : i32
    %add3A_165 = arith.addi %mul3A_2, %add3A_164 : i32
    %dma_start3A_166 = arith.constant 3 : i32
    %dma_start3A_167 = arith.constant 0 : i32
    %dma_start3A_168 = tpu.memref_slice %arg3[%add3A_165, %dma_start3A_166, %dma_start3A_167] : memref<2048x4x2048xf32, #tpu.memory_space<hbm>> -> memref<16x1x2048xf32, #tpu.memory_space<hbm>>
    %dma_start3A_169 = tpu.memref_squeeze %dma_start3A_168 : memref<16x1x2048xf32, #tpu.memory_space<hbm>> -> memref<16x2048xf32, #tpu.memory_space<hbm>>
    %dma_start3A_170 = arith.constant 0 : i32
    %dma_start3A_171 = tpu.memref_slice %arg3[%add3A_165, %dma_start3A_166, %dma_start3A_170] : memref<2048x4x2048xf32, #tpu.memory_space<hbm>> -> memref<16x1x2048xf32, #tpu.memory_space<hbm>>
    %dma_start3A_172 = tpu.memref_squeeze %dma_start3A_171 : memref<16x1x2048xf32, #tpu.memory_space<hbm>> -> memref<16x2048xf32, #tpu.memory_space<hbm>>
    tpu.enqueue_dma source(%arg6 : memref<16x2048xf32, #tpu.memory_space<vmem>>) target(%dma_start3A_172 : memref<16x2048xf32, #tpu.memory_space<hbm>>) target_semaphore(%arg8 : memref<!tpu.dma_semaphore, #tpu.memory_space<semaphore_mem>>)
    %dma_wait3A_173 = arith.constant 0 : i32
    %dma_wait3A_174 = tpu.memref_slice %arg2[%add3A_128, %dma_wait3A_173] : memref<2048x2048xf32, #tpu.memory_space<hbm>> -> memref<16x2048xf32, #tpu.memory_space<hbm>>
    %dma_wait3A_175 = arith.constant 0 : i32
    %dma_wait3A_176 = tpu.memref_slice %arg2[%add3A_128, %dma_wait3A_175] : memref<2048x2048xf32, #tpu.memory_space<hbm>> -> memref<16x2048xf32, #tpu.memory_space<hbm>>
    tpu.wait_dma2 semaphore(%arg7 : memref<!tpu.dma_semaphore, #tpu.memory_space<semaphore_mem>>) src(%dma_wait3A_176 : memref<16x2048xf32, #tpu.memory_space<hbm>>) dst(%arg4 : memref<16x2048xf32, #tpu.memory_space<vmem>>)
    %add3A_177 = arith.constant 48 : i32
    %add3A_178 = arith.addi %mul3A_2, %add3A_177 : i32
    %dma_start3A_179 = arith.constant 0 : i32
    %dma_start3A_180 = arith.constant 0 : i32
    %dma_start3A_181 = tpu.memref_slice %arg3[%add3A_178, %dma_start3A_179, %dma_start3A_180] : memref<2048x4x2048xf32, #tpu.memory_space<hbm>> -> memref<16x1x2048xf32, #tpu.memory_space<hbm>>
    %dma_start3A_182 = tpu.memref_squeeze %dma_start3A_181 : memref<16x1x2048xf32, #tpu.memory_space<hbm>> -> memref<16x2048xf32, #tpu.memory_space<hbm>>
    %dma_start3A_183 = arith.constant 0 : i32
    %dma_start3A_184 = tpu.memref_slice %arg3[%add3A_178, %dma_start3A_179, %dma_start3A_183] : memref<2048x4x2048xf32, #tpu.memory_space<hbm>> -> memref<16x1x2048xf32, #tpu.memory_space<hbm>>
    %dma_start3A_185 = tpu.memref_squeeze %dma_start3A_184 : memref<16x1x2048xf32, #tpu.memory_space<hbm>> -> memref<16x2048xf32, #tpu.memory_space<hbm>>
    tpu.enqueue_dma source(%arg4 : memref<16x2048xf32, #tpu.memory_space<vmem>>) target(%dma_start3A_185 : memref<16x2048xf32, #tpu.memory_space<hbm>>) target_semaphore(%arg8 : memref<!tpu.dma_semaphore, #tpu.memory_space<semaphore_mem>>)
    %add3A_186 = arith.constant 48 : i32
    %add3A_187 = arith.addi %mul3A_2, %add3A_186 : i32
    %dma_start3A_188 = arith.constant 1 : i32
    %dma_start3A_189 = arith.constant 0 : i32
    %dma_start3A_190 = tpu.memref_slice %arg3[%add3A_187, %dma_start3A_188, %dma_start3A_189] : memref<2048x4x2048xf32, #tpu.memory_space<hbm>> -> memref<16x1x2048xf32, #tpu.memory_space<hbm>>
    %dma_start3A_191 = tpu.memref_squeeze %dma_start3A_190 : memref<16x1x2048xf32, #tpu.memory_space<hbm>> -> memref<16x2048xf32, #tpu.memory_space<hbm>>
    %dma_start3A_192 = arith.constant 0 : i32
    %dma_start3A_193 = tpu.memref_slice %arg3[%add3A_187, %dma_start3A_188, %dma_start3A_192] : memref<2048x4x2048xf32, #tpu.memory_space<hbm>> -> memref<16x1x2048xf32, #tpu.memory_space<hbm>>
    %dma_start3A_194 = tpu.memref_squeeze %dma_start3A_193 : memref<16x1x2048xf32, #tpu.memory_space<hbm>> -> memref<16x2048xf32, #tpu.memory_space<hbm>>
    tpu.enqueue_dma source(%arg4 : memref<16x2048xf32, #tpu.memory_space<vmem>>) target(%dma_start3A_194 : memref<16x2048xf32, #tpu.memory_space<hbm>>) target_semaphore(%arg8 : memref<!tpu.dma_semaphore, #tpu.memory_space<semaphore_mem>>)
    %add3A_195 = arith.constant 48 : i32
    %add3A_196 = arith.addi %mul3A_2, %add3A_195 : i32
    %dma_start3A_197 = arith.constant 2 : i32
    %dma_start3A_198 = arith.constant 0 : i32
    %dma_start3A_199 = tpu.memref_slice %arg3[%add3A_196, %dma_start3A_197, %dma_start3A_198] : memref<2048x4x2048xf32, #tpu.memory_space<hbm>> -> memref<16x1x2048xf32, #tpu.memory_space<hbm>>
    %dma_start3A_200 = tpu.memref_squeeze %dma_start3A_199 : memref<16x1x2048xf32, #tpu.memory_space<hbm>> -> memref<16x2048xf32, #tpu.memory_space<hbm>>
    %dma_start3A_201 = arith.constant 0 : i32
    %dma_start3A_202 = tpu.memref_slice %arg3[%add3A_196, %dma_start3A_197, %dma_start3A_201] : memref<2048x4x2048xf32, #tpu.memory_space<hbm>> -> memref<16x1x2048xf32, #tpu.memory_space<hbm>>
    %dma_start3A_203 = tpu.memref_squeeze %dma_start3A_202 : memref<16x1x2048xf32, #tpu.memory_space<hbm>> -> memref<16x2048xf32, #tpu.memory_space<hbm>>
    tpu.enqueue_dma source(%arg4 : memref<16x2048xf32, #tpu.memory_space<vmem>>) target(%dma_start3A_203 : memref<16x2048xf32, #tpu.memory_space<hbm>>) target_semaphore(%arg8 : memref<!tpu.dma_semaphore, #tpu.memory_space<semaphore_mem>>)
    %add3A_204 = arith.constant 48 : i32
    %add3A_205 = arith.addi %mul3A_2, %add3A_204 : i32
    %dma_start3A_206 = arith.constant 3 : i32
    %dma_start3A_207 = arith.constant 0 : i32
    %dma_start3A_208 = tpu.memref_slice %arg3[%add3A_205, %dma_start3A_206, %dma_start3A_207] : memref<2048x4x2048xf32, #tpu.memory_space<hbm>> -> memref<16x1x2048xf32, #tpu.memory_space<hbm>>
    %dma_start3A_209 = tpu.memref_squeeze %dma_start3A_208 : memref<16x1x2048xf32, #tpu.memory_space<hbm>> -> memref<16x2048xf32, #tpu.memory_space<hbm>>
    %dma_start3A_210 = arith.constant 0 : i32
    %dma_start3A_211 = tpu.memref_slice %arg3[%add3A_205, %dma_start3A_206, %dma_start3A_210] : memref<2048x4x2048xf32, #tpu.memory_space<hbm>> -> memref<16x1x2048xf32, #tpu.memory_space<hbm>>
    %dma_start3A_212 = tpu.memref_squeeze %dma_start3A_211 : memref<16x1x2048xf32, #tpu.memory_space<hbm>> -> memref<16x2048xf32, #tpu.memory_space<hbm>>
    tpu.enqueue_dma source(%arg4 : memref<16x2048xf32, #tpu.memory_space<vmem>>) target(%dma_start3A_212 : memref<16x2048xf32, #tpu.memory_space<hbm>>) target_semaphore(%arg8 : memref<!tpu.dma_semaphore, #tpu.memory_space<semaphore_mem>>)
    %dma_wait3A_213 = arith.constant 0 : i32
    %dma_wait3A_214 = arith.constant 0 : i32
    %dma_wait3A_215 = tpu.memref_slice %arg3[%add3A_64, %dma_wait3A_213, %dma_wait3A_214] : memref<2048x4x2048xf32, #tpu.memory_space<hbm>> -> memref<16x1x2048xf32, #tpu.memory_space<hbm>>
    %dma_wait3A_216 = tpu.memref_squeeze %dma_wait3A_215 : memref<16x1x2048xf32, #tpu.memory_space<hbm>> -> memref<16x2048xf32, #tpu.memory_space<hbm>>
    %dma_wait3A_217 = arith.constant 0 : i32
    %dma_wait3A_218 = tpu.memref_slice %arg3[%add3A_64, %dma_wait3A_213, %dma_wait3A_217] : memref<2048x4x2048xf32, #tpu.memory_space<hbm>> -> memref<16x1x2048xf32, #tpu.memory_space<hbm>>
    %dma_wait3A_219 = tpu.memref_squeeze %dma_wait3A_218 : memref<16x1x2048xf32, #tpu.memory_space<hbm>> -> memref<16x2048xf32, #tpu.memory_space<hbm>>
    tpu.wait_dma2 semaphore(%arg8 : memref<!tpu.dma_semaphore, #tpu.memory_space<semaphore_mem>>) src(%arg5 : memref<16x2048xf32, #tpu.memory_space<vmem>>) dst(%dma_wait3A_219 : memref<16x2048xf32, #tpu.memory_space<hbm>>)
    %dma_wait3A_220 = arith.constant 1 : i32
    %dma_wait3A_221 = arith.constant 0 : i32
    %dma_wait3A_222 = tpu.memref_slice %arg3[%add3A_73, %dma_wait3A_220, %dma_wait3A_221] : memref<2048x4x2048xf32, #tpu.memory_space<hbm>> -> memref<16x1x2048xf32, #tpu.memory_space<hbm>>
    %dma_wait3A_223 = tpu.memref_squeeze %dma_wait3A_222 : memref<16x1x2048xf32, #tpu.memory_space<hbm>> -> memref<16x2048xf32, #tpu.memory_space<hbm>>
    %dma_wait3A_224 = arith.constant 0 : i32
    %dma_wait3A_225 = tpu.memref_slice %arg3[%add3A_73, %dma_wait3A_220, %dma_wait3A_224] : memref<2048x4x2048xf32, #tpu.memory_space<hbm>> -> memref<16x1x2048xf32, #tpu.memory_space<hbm>>
    %dma_wait3A_226 = tpu.memref_squeeze %dma_wait3A_225 : memref<16x1x2048xf32, #tpu.memory_space<hbm>> -> memref<16x2048xf32, #tpu.memory_space<hbm>>
    tpu.wait_dma2 semaphore(%arg8 : memref<!tpu.dma_semaphore, #tpu.memory_space<semaphore_mem>>) src(%arg5 : memref<16x2048xf32, #tpu.memory_space<vmem>>) dst(%dma_wait3A_226 : memref<16x2048xf32, #tpu.memory_space<hbm>>)
    %dma_wait3A_227 = arith.constant 2 : i32
    %dma_wait3A_228 = arith.constant 0 : i32
    %dma_wait3A_229 = tpu.memref_slice %arg3[%add3A_82, %dma_wait3A_227, %dma_wait3A_228] : memref<2048x4x2048xf32, #tpu.memory_space<hbm>> -> memref<16x1x2048xf32, #tpu.memory_space<hbm>>
    %dma_wait3A_230 = tpu.memref_squeeze %dma_wait3A_229 : memref<16x1x2048xf32, #tpu.memory_space<hbm>> -> memref<16x2048xf32, #tpu.memory_space<hbm>>
    %dma_wait3A_231 = arith.constant 0 : i32
    %dma_wait3A_232 = tpu.memref_slice %arg3[%add3A_82, %dma_wait3A_227, %dma_wait3A_231] : memref<2048x4x2048xf32, #tpu.memory_space<hbm>> -> memref<16x1x2048xf32, #tpu.memory_space<hbm>>
    %dma_wait3A_233 = tpu.memref_squeeze %dma_wait3A_232 : memref<16x1x2048xf32, #tpu.memory_space<hbm>> -> memref<16x2048xf32, #tpu.memory_space<hbm>>
    tpu.wait_dma2 semaphore(%arg8 : memref<!tpu.dma_semaphore, #tpu.memory_space<semaphore_mem>>) src(%arg5 : memref<16x2048xf32, #tpu.memory_space<vmem>>) dst(%dma_wait3A_233 : memref<16x2048xf32, #tpu.memory_space<hbm>>)
    %dma_wait3A_234 = arith.constant 3 : i32
    %dma_wait3A_235 = arith.constant 0 : i32
    %dma_wait3A_236 = tpu.memref_slice %arg3[%add3A_91, %dma_wait3A_234, %dma_wait3A_235] : memref<2048x4x2048xf32, #tpu.memory_space<hbm>> -> memref<16x1x2048xf32, #tpu.memory_space<hbm>>
    %dma_wait3A_237 = tpu.memref_squeeze %dma_wait3A_236 : memref<16x1x2048xf32, #tpu.memory_space<hbm>> -> memref<16x2048xf32, #tpu.memory_space<hbm>>
    %dma_wait3A_238 = arith.constant 0 : i32
    %dma_wait3A_239 = tpu.memref_slice %arg3[%add3A_91, %dma_wait3A_234, %dma_wait3A_238] : memref<2048x4x2048xf32, #tpu.memory_space<hbm>> -> memref<16x1x2048xf32, #tpu.memory_space<hbm>>
    %dma_wait3A_240 = tpu.memref_squeeze %dma_wait3A_239 : memref<16x1x2048xf32, #tpu.memory_space<hbm>> -> memref<16x2048xf32, #tpu.memory_space<hbm>>
    tpu.wait_dma2 semaphore(%arg8 : memref<!tpu.dma_semaphore, #tpu.memory_space<semaphore_mem>>) src(%arg5 : memref<16x2048xf32, #tpu.memory_space<vmem>>) dst(%dma_wait3A_240 : memref<16x2048xf32, #tpu.memory_space<hbm>>)
    %dma_wait3A_241 = arith.constant 0 : i32
    %dma_wait3A_242 = arith.constant 0 : i32
    %dma_wait3A_243 = tpu.memref_slice %arg3[%add3A_138, %dma_wait3A_241, %dma_wait3A_242] : memref<2048x4x2048xf32, #tpu.memory_space<hbm>> -> memref<16x1x2048xf32, #tpu.memory_space<hbm>>
    %dma_wait3A_244 = tpu.memref_squeeze %dma_wait3A_243 : memref<16x1x2048xf32, #tpu.memory_space<hbm>> -> memref<16x2048xf32, #tpu.memory_space<hbm>>
    %dma_wait3A_245 = arith.constant 0 : i32
    %dma_wait3A_246 = tpu.memref_slice %arg3[%add3A_138, %dma_wait3A_241, %dma_wait3A_245] : memref<2048x4x2048xf32, #tpu.memory_space<hbm>> -> memref<16x1x2048xf32, #tpu.memory_space<hbm>>
    %dma_wait3A_247 = tpu.memref_squeeze %dma_wait3A_246 : memref<16x1x2048xf32, #tpu.memory_space<hbm>> -> memref<16x2048xf32, #tpu.memory_space<hbm>>
    tpu.wait_dma2 semaphore(%arg8 : memref<!tpu.dma_semaphore, #tpu.memory_space<semaphore_mem>>) src(%arg6 : memref<16x2048xf32, #tpu.memory_space<vmem>>) dst(%dma_wait3A_247 : memref<16x2048xf32, #tpu.memory_space<hbm>>)
    %dma_wait3A_248 = arith.constant 1 : i32
    %dma_wait3A_249 = arith.constant 0 : i32
    %dma_wait3A_250 = tpu.memref_slice %arg3[%add3A_147, %dma_wait3A_248, %dma_wait3A_249] : memref<2048x4x2048xf32, #tpu.memory_space<hbm>> -> memref<16x1x2048xf32, #tpu.memory_space<hbm>>
    %dma_wait3A_251 = tpu.memref_squeeze %dma_wait3A_250 : memref<16x1x2048xf32, #tpu.memory_space<hbm>> -> memref<16x2048xf32, #tpu.memory_space<hbm>>
    %dma_wait3A_252 = arith.constant 0 : i32
    %dma_wait3A_253 = tpu.memref_slice %arg3[%add3A_147, %dma_wait3A_248, %dma_wait3A_252] : memref<2048x4x2048xf32, #tpu.memory_space<hbm>> -> memref<16x1x2048xf32, #tpu.memory_space<hbm>>
    %dma_wait3A_254 = tpu.memref_squeeze %dma_wait3A_253 : memref<16x1x2048xf32, #tpu.memory_space<hbm>> -> memref<16x2048xf32, #tpu.memory_space<hbm>>
    tpu.wait_dma2 semaphore(%arg8 : memref<!tpu.dma_semaphore, #tpu.memory_space<semaphore_mem>>) src(%arg6 : memref<16x2048xf32, #tpu.memory_space<vmem>>) dst(%dma_wait3A_254 : memref<16x2048xf32, #tpu.memory_space<hbm>>)
    %dma_wait3A_255 = arith.constant 2 : i32
    %dma_wait3A_256 = arith.constant 0 : i32
    %dma_wait3A_257 = tpu.memref_slice %arg3[%add3A_156, %dma_wait3A_255, %dma_wait3A_256] : memref<2048x4x2048xf32, #tpu.memory_space<hbm>> -> memref<16x1x2048xf32, #tpu.memory_space<hbm>>
    %dma_wait3A_258 = tpu.memref_squeeze %dma_wait3A_257 : memref<16x1x2048xf32, #tpu.memory_space<hbm>> -> memref<16x2048xf32, #tpu.memory_space<hbm>>
    %dma_wait3A_259 = arith.constant 0 : i32
    %dma_wait3A_260 = tpu.memref_slice %arg3[%add3A_156, %dma_wait3A_255, %dma_wait3A_259] : memref<2048x4x2048xf32, #tpu.memory_space<hbm>> -> memref<16x1x2048xf32, #tpu.memory_space<hbm>>
    %dma_wait3A_261 = tpu.memref_squeeze %dma_wait3A_260 : memref<16x1x2048xf32, #tpu.memory_space<hbm>> -> memref<16x2048xf32, #tpu.memory_space<hbm>>
    tpu.wait_dma2 semaphore(%arg8 : memref<!tpu.dma_semaphore, #tpu.memory_space<semaphore_mem>>) src(%arg6 : memref<16x2048xf32, #tpu.memory_space<vmem>>) dst(%dma_wait3A_261 : memref<16x2048xf32, #tpu.memory_space<hbm>>)
    %dma_wait3A_262 = arith.constant 3 : i32
    %dma_wait3A_263 = arith.constant 0 : i32
    %dma_wait3A_264 = tpu.memref_slice %arg3[%add3A_165, %dma_wait3A_262, %dma_wait3A_263] : memref<2048x4x2048xf32, #tpu.memory_space<hbm>> -> memref<16x1x2048xf32, #tpu.memory_space<hbm>>
    %dma_wait3A_265 = tpu.memref_squeeze %dma_wait3A_264 : memref<16x1x2048xf32, #tpu.memory_space<hbm>> -> memref<16x2048xf32, #tpu.memory_space<hbm>>
    %dma_wait3A_266 = arith.constant 0 : i32
    %dma_wait3A_267 = tpu.memref_slice %arg3[%add3A_165, %dma_wait3A_262, %dma_wait3A_266] : memref<2048x4x2048xf32, #tpu.memory_space<hbm>> -> memref<16x1x2048xf32, #tpu.memory_space<hbm>>
    %dma_wait3A_268 = tpu.memref_squeeze %dma_wait3A_267 : memref<16x1x2048xf32, #tpu.memory_space<hbm>> -> memref<16x2048xf32, #tpu.memory_space<hbm>>
    tpu.wait_dma2 semaphore(%arg8 : memref<!tpu.dma_semaphore, #tpu.memory_space<semaphore_mem>>) src(%arg6 : memref<16x2048xf32, #tpu.memory_space<vmem>>) dst(%dma_wait3A_268 : memref<16x2048xf32, #tpu.memory_space<hbm>>)
    %dma_wait3A_269 = arith.constant 0 : i32
    %dma_wait3A_270 = arith.constant 0 : i32
    %dma_wait3A_271 = tpu.memref_slice %arg3[%add3A_178, %dma_wait3A_269, %dma_wait3A_270] : memref<2048x4x2048xf32, #tpu.memory_space<hbm>> -> memref<16x1x2048xf32, #tpu.memory_space<hbm>>
    %dma_wait3A_272 = tpu.memref_squeeze %dma_wait3A_271 : memref<16x1x2048xf32, #tpu.memory_space<hbm>> -> memref<16x2048xf32, #tpu.memory_space<hbm>>
    %dma_wait3A_273 = arith.constant 0 : i32
    %dma_wait3A_274 = tpu.memref_slice %arg3[%add3A_178, %dma_wait3A_269, %dma_wait3A_273] : memref<2048x4x2048xf32, #tpu.memory_space<hbm>> -> memref<16x1x2048xf32, #tpu.memory_space<hbm>>
    %dma_wait3A_275 = tpu.memref_squeeze %dma_wait3A_274 : memref<16x1x2048xf32, #tpu.memory_space<hbm>> -> memref<16x2048xf32, #tpu.memory_space<hbm>>
    tpu.wait_dma2 semaphore(%arg8 : memref<!tpu.dma_semaphore, #tpu.memory_space<semaphore_mem>>) src(%arg4 : memref<16x2048xf32, #tpu.memory_space<vmem>>) dst(%dma_wait3A_275 : memref<16x2048xf32, #tpu.memory_space<hbm>>)
    %dma_wait3A_276 = arith.constant 1 : i32
    %dma_wait3A_277 = arith.constant 0 : i32
    %dma_wait3A_278 = tpu.memref_slice %arg3[%add3A_187, %dma_wait3A_276, %dma_wait3A_277] : memref<2048x4x2048xf32, #tpu.memory_space<hbm>> -> memref<16x1x2048xf32, #tpu.memory_space<hbm>>
    %dma_wait3A_279 = tpu.memref_squeeze %dma_wait3A_278 : memref<16x1x2048xf32, #tpu.memory_space<hbm>> -> memref<16x2048xf32, #tpu.memory_space<hbm>>
    %dma_wait3A_280 = arith.constant 0 : i32
    %dma_wait3A_281 = tpu.memref_slice %arg3[%add3A_187, %dma_wait3A_276, %dma_wait3A_280] : memref<2048x4x2048xf32, #tpu.memory_space<hbm>> -> memref<16x1x2048xf32, #tpu.memory_space<hbm>>
    %dma_wait3A_282 = tpu.memref_squeeze %dma_wait3A_281 : memref<16x1x2048xf32, #tpu.memory_space<hbm>> -> memref<16x2048xf32, #tpu.memory_space<hbm>>
    tpu.wait_dma2 semaphore(%arg8 : memref<!tpu.dma_semaphore, #tpu.memory_space<semaphore_mem>>) src(%arg4 : memref<16x2048xf32, #tpu.memory_space<vmem>>) dst(%dma_wait3A_282 : memref<16x2048xf32, #tpu.memory_space<hbm>>)
    %dma_wait3A_283 = arith.constant 2 : i32
    %dma_wait3A_284 = arith.constant 0 : i32
    %dma_wait3A_285 = tpu.memref_slice %arg3[%add3A_196, %dma_wait3A_283, %dma_wait3A_284] : memref<2048x4x2048xf32, #tpu.memory_space<hbm>> -> memref<16x1x2048xf32, #tpu.memory_space<hbm>>
    %dma_wait3A_286 = tpu.memref_squeeze %dma_wait3A_285 : memref<16x1x2048xf32, #tpu.memory_space<hbm>> -> memref<16x2048xf32, #tpu.memory_space<hbm>>
    %dma_wait3A_287 = arith.constant 0 : i32
    %dma_wait3A_288 = tpu.memref_slice %arg3[%add3A_196, %dma_wait3A_283, %dma_wait3A_287] : memref<2048x4x2048xf32, #tpu.memory_space<hbm>> -> memref<16x1x2048xf32, #tpu.memory_space<hbm>>
    %dma_wait3A_289 = tpu.memref_squeeze %dma_wait3A_288 : memref<16x1x2048xf32, #tpu.memory_space<hbm>> -> memref<16x2048xf32, #tpu.memory_space<hbm>>
    tpu.wait_dma2 semaphore(%arg8 : memref<!tpu.dma_semaphore, #tpu.memory_space<semaphore_mem>>) src(%arg4 : memref<16x2048xf32, #tpu.memory_space<vmem>>) dst(%dma_wait3A_289 : memref<16x2048xf32, #tpu.memory_space<hbm>>)
    %dma_wait3A_290 = arith.constant 3 : i32
    %dma_wait3A_291 = arith.constant 0 : i32
    %dma_wait3A_292 = tpu.memref_slice %arg3[%add3A_205, %dma_wait3A_290, %dma_wait3A_291] : memref<2048x4x2048xf32, #tpu.memory_space<hbm>> -> memref<16x1x2048xf32, #tpu.memory_space<hbm>>
    %dma_wait3A_293 = tpu.memref_squeeze %dma_wait3A_292 : memref<16x1x2048xf32, #tpu.memory_space<hbm>> -> memref<16x2048xf32, #tpu.memory_space<hbm>>
    %dma_wait3A_294 = arith.constant 0 : i32
    %dma_wait3A_295 = tpu.memref_slice %arg3[%add3A_205, %dma_wait3A_290, %dma_wait3A_294] : memref<2048x4x2048xf32, #tpu.memory_space<hbm>> -> memref<16x1x2048xf32, #tpu.memory_space<hbm>>
    %dma_wait3A_296 = tpu.memref_squeeze %dma_wait3A_295 : memref<16x1x2048xf32, #tpu.memory_space<hbm>> -> memref<16x2048xf32, #tpu.memory_space<hbm>>
    tpu.wait_dma2 semaphore(%arg8 : memref<!tpu.dma_semaphore, #tpu.memory_space<semaphore_mem>>) src(%arg4 : memref<16x2048xf32, #tpu.memory_space<vmem>>) dst(%dma_wait3A_296 : memref<16x2048xf32, #tpu.memory_space<hbm>>)
    return
  }
}

</mosaic_0001>

<sc_bundles>
// kernel: kernel.3.cloned.1.call-start
scs
__scs_entry_jumppad:
0x0: {  	(pc) =	sbr.rel $0x88, $3  }
0x1: {  	(tag) =	ssettag $0x0;
	lr =	simm.s32 $0x1  }
0x2: {  	[smem:$0x3FA0] =	sst lr;
	_ =	strace $0xD0000000  }
0x3: {  	_ = 	snop  }
0x4: {  	_ = 	snop  }
0x5: {  	_ = 	snop  }
0x6: {  	_ = 	snop  }
0x7: {  	_ = 	snop  }
__scs_overlays_trampoline_lowered:
0x8: {  	[smem:$0x3FAF] =	sst s0  }
0x9: {  	[smem:$0x3FB0] =	sst s1  }
0xa: {  	[smem:$0x3FB1] =	sst s2  }
0xb: {  	[smem:$0x3FB2] =	sst s3  }
0xc: {  	[smem:$0x3FB3] =	sst s4  }
0xd: {  	[smem:$0x3FB4] =	sst s5  }
0xe: {  	[smem:$0x3FB5] =	sst s6  }
0xf: {  	[smem:$0x3FB6] =	sst s7  }
0x10: {  	[smem:$0x3FB7] =	sst s8  }
0x11: {  	[smem:$0x3FB8] =	sst s9;
	s0 =	simm.s32 @!p0 $0x0  }
0x12: {  	s1 =	sld [smem:$0x3F9E];
	s0 =	simm.s32 @p0 $0x1  }
0x13: {  	[smem:$0x3FB9] =	sst s0;
	s0 =	simm.s32 @!p1 $0x0  }
0x14: {  	s2 =	sld [smem:$0x3F9D];
	s0 =	simm.s32 @p1 $0x1  }
0x15: {  	[smem:$0x3FBA] =	sst s0;
	s0 =	simm.s32 @!p2 $0x0  }
0x16: {  	s3 =	sld [smem:$0x3FDB];
	s0 =	simm.s32 @p2 $0x1  }
0x17: {  	s4 =	simm.s32 $0x1BF5;
	[smem:$0x3FBC] =	sst s0  }
0x18: {  	s0 =	sld [smem:$0x3F9F];
	_ =	swait.ge [sflag:s4], $0x0  }
0x19: {  	s7 =	sld [smem:$0x3FA0]  }
0x1a: {  	s8 =	sadd.s32 $0xFFFFE003, lr  }
0x1b: {  	s9 =	sadd.s32 $0xFFFFFEF7, lr;
	s5 =	simm.s32 $0xFFFFFFFF;
	p2 =	slt.u32 s8, $0xFFFFF086  }
0x1c: {  	p1 =	slt.u32 s9, $0xF7A;
	s5 =	simm.s32 @!p2 $0x0  }
0x1d: {  	s5 =	simm.s32 @p1 $0x1;
	p0 =	seq.s32 s7, s2  }
0x1e: {  	s7 =	smul.u32 @!p0 $0xF7A, s2;
	p2 =	seq.s32 @!p0 s5, $0x0  }
0x1f: {  	s9 =	smul.u32 $0xF7A, s1;
	s8 =	simm.s32 @!p0 $0x1BF5;
	p2 =	por !p2, p0  }
0x20: {  	[sflag:s8] =	ssyncset.s32 @!p0 $0xFFFFF086;
	s6 =	sadd.s32 @!p0 s3, s7;
	s7 =	simm.s32 @!p0 $0x108  }
0x21: {  	s3 =	sadd.s32 s3, s9;
	s6 =	sadd.s32 @!p0 $0x88, s6;
	s7 =	simm.s32 @p2 $0x1082  }
0x22: {  	[simem:s7], [sflag:s8] =	dma.local @!p0 [hbm:s6], $0xF7A  }
0x23: {  	s9 =	sor.u32 $0xD0000000, s2;
	s6 =	simm.s32 $0x108;
	_ =	swait.ge @!p0 [sflag:s8], $0x0  }
0x24: {  	s3 =	sadd.s32 $0x88, s3;
	s6 =	simm.s32 @!p1 $0x1082;
	[sflag:s4] =	ssyncset.s32 $0xFFFFF086  }
0x25: {  	[simem:s6], [sflag:s4] =	dma.local [hbm:s3], $0xF7A  }
0x26: {  	[smem:$0x3FA0] =	sst s1;
	(tag) =	ssettag s2;
	_ =	strace s9  }
0x27: {  	s1 =	sld [smem:$0x3FB0]  }
0x28: {  	s2 =	sld [smem:$0x3FB1]  }
0x29: {  	s4 =	sld [smem:$0x3FB3]  }
0x2a: {  	p0 =	seq.s32 s5, $0x0;
	s5 =	sld [smem:$0x3FB4]  }
0x2b: {  	s6 =	sld [smem:$0x3FB5]  }
0x2c: {  	s7 =	sld [smem:$0x3FB6]  }
0x2d: {  	s3 =	simm.s32 $0x108;
	s8 =	sld [smem:$0x3FB7]  }
0x2e: {  	s3 =	simm.s32 @!p0 $0x1082;
	s9 =	sld [smem:$0x3FB8]  }
0x2f: {  	lr =	sadd.s32 s0, s3;
	s0 =	sld [smem:$0x3FAF]  }
0x30: {  	s3 =	sld [smem:$0x3FB2]  }
0x31: {  	[smem:$0x3FBB] =	sst s10  }
0x32: {  	s10 =	sld [smem:$0x3FB9];
	_ =	sdelay $0x3  }
0x33: {  	p0 =	seq.s32 s10, $0x1;
	s10 =	sld [smem:$0x3FBB];
	_ =	sdelay $0x3  }
0x34: {  	[smem:$0x3FBB] =	sst s10  }
0x35: {  	s10 =	sld [smem:$0x3FBA];
	_ =	sdelay $0x3  }
0x36: {  	p1 =	seq.s32 s10, $0x1;
	s10 =	sld [smem:$0x3FBB];
	_ =	sdelay $0x3  }
0x37: {  	[smem:$0x3FBB] =	sst s10  }
0x38: {  	s10 =	sld [smem:$0x3FBC]  }
0x39: {  	_ = 	snop;
	(pc) =	sbr.ind lr, $3  }
0x3a: {  	_ = 	snop  }
0x3b: {  	_ = 	snop  }
0x3c: {  	p2 =	seq.s32 s10, $0x1;
	s10 =	sld [smem:$0x3FBB]  }
0x3d: {  	_ =	shalt  }
0x3e: {  	_ =	shalt  }
0x3f: {  	_ =	shalt  }
0x40: {  	_ =	shalt  }
0x41: {  	_ =	shalt  }
0x42: {  	_ =	shalt  }
0x43: {  	_ =	shalt  }
0x44: {  	_ =	shalt  }
0x45: {  	_ =	shalt  }
0x46: {  	_ =	shalt  }
0x47: {  	_ =	shalt  }
0x48: {  	_ =	shalt  }
0x49: {  	_ =	shalt  }
0x4a: {  	_ =	shalt  }
0x4b: {  	_ =	shalt  }
0x4c: {  	_ =	shalt  }
0x4d: {  	_ =	shalt  }
0x4e: {  	_ =	shalt  }
0x4f: {  	_ =	shalt  }
0x50: {  	_ =	shalt  }
0x51: {  	_ =	shalt  }
0x52: {  	_ =	shalt  }
0x53: {  	_ =	shalt  }
0x54: {  	_ =	shalt  }
0x55: {  	_ =	shalt  }
0x56: {  	_ =	shalt  }
0x57: {  	_ =	shalt  }
0x58: {  	_ =	shalt  }
0x59: {  	_ =	shalt  }
0x5a: {  	_ =	shalt  }
0x5b: {  	_ =	shalt  }
0x5c: {  	_ =	shalt  }
0x5d: {  	_ =	shalt  }
0x5e: {  	_ =	shalt  }
0x5f: {  	_ =	shalt  }
0x60: {  	_ =	shalt  }
0x61: {  	_ =	shalt  }
0x62: {  	_ =	shalt  }
0x63: {  	_ =	shalt  }
0x64: {  	_ =	shalt  }
0x65: {  	_ =	shalt  }
0x66: {  	_ =	shalt  }
0x67: {  	_ =	shalt  }
0x68: {  	_ =	shalt  }
0x69: {  	_ =	shalt  }
0x6a: {  	_ =	shalt  }
0x6b: {  	_ =	shalt  }
0x6c: {  	_ =	shalt  }
0x6d: {  	_ =	shalt  }
0x6e: {  	_ =	shalt  }
0x6f: {  	_ =	shalt  }
0x70: {  	_ =	shalt  }
0x71: {  	_ =	shalt  }
0x72: {  	_ =	shalt  }
0x73: {  	_ =	shalt  }
0x74: {  	_ =	shalt  }
0x75: {  	_ =	shalt  }
0x76: {  	_ =	shalt  }
0x77: {  	_ =	shalt  }
0x78: {  	_ =	shalt  }
0x79: {  	_ =	shalt  }
0x7a: {  	_ =	shalt  }
0x7b: {  	_ =	shalt  }
0x7c: {  	_ =	shalt  }
0x7d: {  	_ =	shalt  }
0x7e: {  	_ =	shalt  }
0x7f: {  	_ =	shalt  }
0x80: {  	_ =	shalt  }
0x81: {  	_ =	shalt  }
0x82: {  	_ =	shalt  }
0x83: {  	_ =	shalt  }
0x84: {  	_ =	shalt  }
0x85: {  	_ =	shalt  }
0x86: {  	_ =	shalt  }
0x87: {  	_ =	shalt  }
.Lfunc_end0:
.L_simem_size_0:
called_computation_lowered:
.L_overlay_start_0:
0x88: {  	s2 =	sld [smem:$0x3FD9]  }
0x89: {  	s3 =	sld [smem:$0x3FFE];
	_ =	sdelay $0x1  }
0x8a: {  	s1 =	srdreg.scid  }
0x8b: {  	s0 =	sand.u32 $0x1, s1  }
0x8c: {  	s18 =	sshll.u32 s0, $0xA;
	s2 =	sadd.s32 s3, s2  }
0x8d: {  	s2 =	sadd.s32 s2, s18  }
0x8e: {  	[smem:$0x3FC7] =	sst s2  }
0x8f: {  	_ = 	snop  }
0x90: {  	s2 =	sld [smem:$0x3FC9]  }
0x91: {  	s19 =	sld [smem:$0x3FD0];
	(tm) =	ssettm $0x1  }
0x92: {  	s4 =	sld [smem:$0x3FFB];
	_ =	sdelay $0x3  }
0x93: {  	_ =	strace s4  }
0x94: {  	s4 =	sld [smem:$0x3FFC];
	_ =	sdelay $0x3  }
0x95: {  	_ =	strace s4  }
0x96: {  	s4 =	sld [smem:$0x3FFD];
	_ =	sdelay $0x3  }
0x97: {  	_ =	strace s4  }
0x98: {  	_ =	strace $0x8FFFFFFF  }
0x99: {  	s20 =	sld [smem:$0x3FDB];
	_ =	sdelay $0x1  }
0x9a: {  	s5 =	simm.s32 $_scs_section_size  }
0x9b: {  	s6 =	simm.s32 $_size__tile_overlayer_lowered;
	s7 =	simm.s32 $_tile_overlayer_lowered  }
0x9c: {  	s23 =	simm.s32 $0x1BFF;
	s22 =	sshll.u32 s7, $0x1;
	s4 =	sadd.s32 s5, s20  }
0x9d: {  	s8 =	simm.s32 $0x0;
	s21 =	sshll.u32 s6, $0x1;
	s6 =	sadd.s32 s22, s4  }
0x9e: {  	[timem:s8], [sflag:s23] =	dma.local [hbm:s6], s21  }
0x9f: {  	_ =	swait.ge [sflag:s23], s21  }
0xa0: {  	s5 =	ssub.s32 $0x0, s21;
	[sflag:s23] =	ssyncset.done $0x0  }
0xa1: {  	[sflag:s23] =	ssyncadd.s32 s5;
	_ =	sdelay $0x1  }
0xa2: {  	s24 =	simm.s32 $0x1B8B  }
0xa3: {  	_ =	swait.ge [sflag:s24], $0x1  }
0xa4: {  	[sflag:s24] =	ssyncset.done $0x0  }
0xa5: {  	s25 =	simm.s32 $0x1B8E;
	[sflag:s24] =	ssyncadd.s32 $0xFFFFFFFF  }
0xa6: {  	s26 =	simm.s32 $execute0_lowered;
	[smem:$0x3FD2] =	sst s25  }
0xa7: {  	s5 =	sshll.u32 s26, $0x1;
	_ =	strace $0x80000046;
	[dreg:$0x1] =	wrdreg $0xFFFFFFFF  }
0xa8: {  	s28 =	simm.s32 $_size_execute0_lowered;
	s4 =	sadd.s32 s4, s5;
	[dreg:$0x0] =	wrdreg $0x0  }
0xa9: {  	s5 =	sshll.u32 s28, $0x1;
	[dreg:$0x2] =	wrdreg s4  }
0xaa: {  	[dreg:$0x3] =	wrdreg s5  }
0xab: {  	[dreg:$0x4] =	wrdreg $0xC0  }
0xac: {  	_ =	task [dreg:s8], $0x5FFFF  }
0xad: {  	[dreg:$0x1] =	wrdreg $0xFFFFFFFF  }
0xae: {  	[dreg:$0x0] =	wrdreg $0x60  }
0xaf: {  	[dreg:$0x2] =	wrdreg s2  }
0xb0: {  	[dreg:$0x3] =	wrdreg s19  }
0xb1: {  	[dreg:$0x4] =	wrdreg $0x9  }
0xb2: {  	_ =	task.clear_ibuf [dreg:s8], $0x5FFFF;
	_ =	strace $0x90000046  }
0xb3: {  	s29 =	simm.s32 $0x9;
	_ =	strace $0x80000048  }
0xb4: {  	_ =	swait.ge [sflag:s29], $0x1  }
0xb5: {  	[sflag:s29] =	ssyncadd.s32 $0xFFFFFFFF  }
0xb6: {  	_ =	strace $0x90000048  }
0xb7: {  	_ =	sfence  }
0xb8: {  	s30 =	sld [smem:$0x0];
	_ =	sdelay $0x2  }
0xb9: {  	s31 =	sshll.u32 s1, $0xD;
	s1 =	sshrl.u32 s1, $0x2  }
0xba: {  	s3 =	sand.u32 $0x4000, s31;
	s1 =	sadd.s32 s1, s30  }
0xbb: {  	s0 =	sor.u32 s3, s0;
	s1 =	sshll.u32 s1, $0x11  }
0xbc: {  	s0 =	sor.u32 s1, s0  }
0xbd: {  	s0 =	sadd.s32 $0x8F2B, s0  }
0xbe: {  	[sflag:s0] =	ssyncadd.remote.s32 $0x1  }
0xbf: {  	_ =	sfence.sel $0xFFFF  }
0xc0: {  	[dreg:$0x0] =	wrdreg $0xFFFFFFFF;
	(pc) =	sbr.abs _section_cstart, $3  }
0xc1: {  	[dreg:$0x1] =	wrdreg $0xFFFFFFFF  }
0xc2: {  	_ =	task.clear_ibuf [dreg:s8], $0x2FFFF;
	_ =	strace $0x9FFFFFFF  }
0xc3: {  	(tm) =	ssettm $0x7FFFFFFF  }
tec
execute0_lowered:
.L_overlay_start_1:
0x0: {  	(tag) =	ssettag $0x1  }
0x1: {  	s1 =	rddreg [dreg:$0x0]  }
0x2: {  	s2 =	srdreg.scid;
	s0 =	stileid.u32  }
0x3: {  	s19 =	rddreg [dreg:$0x1];
	s28 =	simm.s32 $0x80;
	s29 =	simm.s32 $0x2000  }
0x4: {  	s30 =	simm.s32 $0x2;
	s31 =	simm.s32 $0x0;
	s3 =	sand.u32 $0x1, s2  }
0x5: {  	s4 =	sshll.u32 s0, $0x1;
	s2 =	simm.s32 $0x0;
	s20 =	sadd.s32 $0x10, s19  }
0x6: {  	s5 =	sor.u32 s3, s4;
	[smem:$0x7FF] =	sst s2;
	s3 =	ssub.s32 $0x2, s3  }
0x7: {  	s13 =	sshll.u32 s5, $0x6;
	_ =	strace $0x80000047;
	s21 =	sshrl.u32 s3, $0x1  }
0x8: {  	s22 =	sshll.u32 s5, $0xE;
	s9 =	sshll.u32 s5, $0x10;
	s8 =	sor.u32 $0x10, s13  }
0x9: {  	s23 =	ssub.s32 s3, s21;
	s3 =	sadd.s32 s1, s22;
	s14 =	sor.u32 $0x20, s13  }
0xa: {  	s7 =	sadd.s32 s9, s20;
	s21 =	sadd.s32 $0x20, s19;
	s22 =	sadd.s32 $0x30, s19  }
0xb: {  	s24 =	sshll.u32 s8, $0x8;
	s6 =	sshll.u32 s14, $0x8;
	s15 =	sshll.u32 s8, $0xA  }
0xc: {  	s8 =	sadd.s32 s9, s21;
	s18 =	sshll.u32 s14, $0xA;
	s23 =	smax.u32 s23, $0x1  }
0xd: {  	s4 =	sadd.s32 s1, s24;
	s5 =	sadd.s32 s1, s6;
	s6 =	sadd.s32 s19, s9  }
0xe: {  	s9 =	sadd.s32 s9, s22;
	s10 =	sadd.s32 s19, s15;
	s11 =	sadd.s32 s15, s20  }
0xf: {  	s12 =	sadd.s32 s15, s21;
	s24 =	sor.u32 $0x30, s13;
	s13 =	sadd.s32 s15, s22  }
0x10: {  	s15 =	sadd.s32 s19, s18;
	s16 =	sadd.s32 s18, s20;
	s17 =	sadd.s32 s18, s21  }
0x11: {  	s18 =	sadd.s32 s18, s22;
	s25 =	sshll.u32 s24, $0x8;
	s26 =	sshll.u32 s24, $0xA  }
0x12: {  	s14 =	sadd.s32 s1, s25;
	s19 =	sadd.s32 s19, s26;
	s20 =	sadd.s32 s26, s20  }
0x13: {  	s21 =	sadd.s32 s26, s21;
	s22 =	sadd.s32 s26, s22;
	s26 =	simm.s32 $0x1  }
.LBB2_1:
0x14: {  	[tilespmem:s2], [sflag:$0x1] =	stream.linear.gather [hbm4b:s3+s2], $0x8000, $0x38;
	[tilespmem:$0x18000] =	vst v63  }
0x15: {  	s0 =	simm.s32 $0x8000  }
0x16: {  	[tilespmem:s0], [sflag:$0x1] =	stream.linear.gather [hbm4b:s4+s2], $0x8000, $0x38;
	[tilespmem:$0x18000] =	vst v63  }
0x17: {  	s25 =	simm.s32 $0x10000  }
0x18: {  	[tilespmem:s25], [sflag:$0x1] =	stream.linear.gather [hbm4b:s5+s2], $0x8000, $0x38;
	[tilespmem:$0x18000] =	vst v63  }
0x19: {  	_ =	swait.ge [sflag:s26], $0x8000  }
0x1a: {  	[sflag:s26] =	ssyncset.done $0x0  }
0x1b: {  	p0 =	por $0x1, $0x1;
	s1 =	simm.s32 $0x0;
	[sflag:s26] =	ssyncadd.s32 $0xFFFF8000  }
.LBB2_2:
0x1c: {  	s0 =	sshll.u32 s1, $0xE;
	s25 =	sshll.u32 s1, $0xD  }
0x1d: {  	s0 =	sand.u32 $0x3FFFC000, s0;
	s1 =	sadd.s32 s25, s6  }
0x1e: {  	[hbm4b:s1+s28] =	stream.strided.scatter [tilespmem:s0], [sflag:$0x2], $0x400, s29, s28, $0x38;
	[tilespmem:$0x18000] =	vst v63  }
0x1f: {  	s24 =	sor.u32 $0x400, s0;
	s25 =	sadd.s32 $0x40, s1  }
0x20: {  	[hbm4b:s25+s28] =	stream.strided.scatter [tilespmem:s24], [sflag:$0x2], $0x400, s29, s28, $0x38;
	[tilespmem:$0x18000] =	vst v63  }
0x21: {  	s24 =	sor.u32 $0x800, s0;
	s25 =	sadd.s32 $0x80, s1  }
0x22: {  	[hbm4b:s25+s28] =	stream.strided.scatter [tilespmem:s24], [sflag:$0x2], $0x400, s29, s28, $0x38;
	[tilespmem:$0x18000] =	vst v63  }
0x23: {  	s24 =	sor.u32 $0xC00, s0;
	s25 =	sadd.s32 $0xC0, s1  }
0x24: {  	[hbm4b:s25+s28] =	stream.strided.scatter [tilespmem:s24], [sflag:$0x2], $0x400, s29, s28, $0x38;
	[tilespmem:$0x18000] =	vst v63  }
0x25: {  	s24 =	sor.u32 $0x1000, s0;
	s25 =	sadd.s32 $0x100, s1  }
0x26: {  	[hbm4b:s25+s28] =	stream.strided.scatter [tilespmem:s24], [sflag:$0x2], $0x400, s29, s28, $0x38;
	[tilespmem:$0x18000] =	vst v63  }
0x27: {  	s24 =	sor.u32 $0x1400, s0;
	s25 =	sadd.s32 $0x140, s1  }
0x28: {  	[hbm4b:s25+s28] =	stream.strided.scatter [tilespmem:s24], [sflag:$0x2], $0x400, s29, s28, $0x38;
	[tilespmem:$0x18000] =	vst v63  }
0x29: {  	s24 =	sor.u32 $0x1800, s0;
	s25 =	sadd.s32 $0x180, s1  }
0x2a: {  	[hbm4b:s25+s28] =	stream.strided.scatter [tilespmem:s24], [sflag:$0x2], $0x400, s29, s28, $0x38;
	[tilespmem:$0x18000] =	vst v63  }
0x2b: {  	s24 =	sor.u32 $0x1C00, s0;
	s25 =	sadd.s32 $0x1C0, s1  }
0x2c: {  	[hbm4b:s25+s28] =	stream.strided.scatter [tilespmem:s24], [sflag:$0x2], $0x400, s29, s28, $0x38;
	[tilespmem:$0x18000] =	vst v63  }
0x2d: {  	s24 =	sor.u32 $0x2000, s0;
	s25 =	sadd.s32 $0x200, s1  }
0x2e: {  	[hbm4b:s25+s28] =	stream.strided.scatter [tilespmem:s24], [sflag:$0x2], $0x400, s29, s28, $0x38;
	[tilespmem:$0x18000] =	vst v63  }
0x2f: {  	s24 =	sor.u32 $0x2400, s0;
	s25 =	sadd.s32 $0x240, s1  }
0x30: {  	[hbm4b:s25+s28] =	stream.strided.scatter [tilespmem:s24], [sflag:$0x2], $0x400, s29, s28, $0x38;
	[tilespmem:$0x18000] =	vst v63  }
0x31: {  	s24 =	sor.u32 $0x2800, s0;
	s25 =	sadd.s32 $0x280, s1  }
0x32: {  	[hbm4b:s25+s28] =	stream.strided.scatter [tilespmem:s24], [sflag:$0x2], $0x400, s29, s28, $0x38;
	[tilespmem:$0x18000] =	vst v63  }
0x33: {  	s24 =	sor.u32 $0x2C00, s0;
	s25 =	sadd.s32 $0x2C0, s1  }
0x34: {  	[hbm4b:s25+s28] =	stream.strided.scatter [tilespmem:s24], [sflag:$0x2], $0x400, s29, s28, $0x38;
	[tilespmem:$0x18000] =	vst v63  }
0x35: {  	s24 =	sor.u32 $0x3000, s0;
	s25 =	sadd.s32 $0x300, s1  }
0x36: {  	[hbm4b:s25+s28] =	stream.strided.scatter [tilespmem:s24], [sflag:$0x2], $0x400, s29, s28, $0x38;
	[tilespmem:$0x18000] =	vst v63  }
0x37: {  	p1 =	por p0, p0;
	s24 =	sor.u32 $0x3400, s0;
	s25 =	sadd.s32 $0x340, s1  }
0x38: {  	[hbm4b:s25+s28] =	stream.strided.scatter [tilespmem:s24], [sflag:$0x2], $0x400, s29, s28, $0x38;
	[tilespmem:$0x18000] =	vst v63  }
.Ltmp0:
0x39: {  	s24 =	sor.u32 $0x3800, s0;
	s25 =	sadd.s32 $0x380, s1;
	(pc) =	sbr.rel @p1 .LBB2_2-.Ltmp0, $4  }
0x3a: {  	[hbm4b:s25+s28] =	stream.strided.scatter [tilespmem:s24], [sflag:$0x2], $0x400, s29, s28, $0x38;
	[tilespmem:$0x18000] =	vst v63  }
0x3b: {  	s0 =	sor.u32 $0x3C00, s0;
	s1 =	sadd.s32 $0x3C0, s1  }
0x3c: {  	[hbm4b:s1+s28] =	stream.strided.scatter [tilespmem:s0], [sflag:$0x2], $0x400, s29, s28, $0x38;
	[tilespmem:$0x18000] =	vst v63  }
0x3d: {  	p0 =	por $0x0, $0x0;
	s1 =	simm.s32 $0x1  }
0x3e: {  	s1 =	simm.s32 $0x0;
	p0 =	por $0x1, $0x1  }
.LBB2_4:
0x3f: {  	s0 =	sshll.u32 s1, $0xE;
	s25 =	sshll.u32 s1, $0xD  }
0x40: {  	s0 =	sand.u32 $0x3FFFC000, s0;
	s1 =	sadd.s32 s25, s7  }
0x41: {  	[hbm4b:s1+s28] =	stream.strided.scatter [tilespmem:s0], [sflag:$0x2], $0x400, s29, s28, $0x38;
	[tilespmem:$0x18000] =	vst v63  }
0x42: {  	s24 =	sor.u32 $0x400, s0;
	s25 =	sadd.s32 $0x40, s1  }
0x43: {  	[hbm4b:s25+s28] =	stream.strided.scatter [tilespmem:s24], [sflag:$0x2], $0x400, s29, s28, $0x38;
	[tilespmem:$0x18000] =	vst v63  }
0x44: {  	s24 =	sor.u32 $0x800, s0;
	s25 =	sadd.s32 $0x80, s1  }
0x45: {  	[hbm4b:s25+s28] =	stream.strided.scatter [tilespmem:s24], [sflag:$0x2], $0x400, s29, s28, $0x38;
	[tilespmem:$0x18000] =	vst v63  }
0x46: {  	s24 =	sor.u32 $0xC00, s0;
	s25 =	sadd.s32 $0xC0, s1  }
0x47: {  	[hbm4b:s25+s28] =	stream.strided.scatter [tilespmem:s24], [sflag:$0x2], $0x400, s29, s28, $0x38;
	[tilespmem:$0x18000] =	vst v63  }
0x48: {  	s24 =	sor.u32 $0x1000, s0;
	s25 =	sadd.s32 $0x100, s1  }
0x49: {  	[hbm4b:s25+s28] =	stream.strided.scatter [tilespmem:s24], [sflag:$0x2], $0x400, s29, s28, $0x38;
	[tilespmem:$0x18000] =	vst v63  }
0x4a: {  	s24 =	sor.u32 $0x1400, s0;
	s25 =	sadd.s32 $0x140, s1  }
0x4b: {  	[hbm4b:s25+s28] =	stream.strided.scatter [tilespmem:s24], [sflag:$0x2], $0x400, s29, s28, $0x38;
	[tilespmem:$0x18000] =	vst v63  }
0x4c: {  	s24 =	sor.u32 $0x1800, s0;
	s25 =	sadd.s32 $0x180, s1  }
0x4d: {  	[hbm4b:s25+s28] =	stream.strided.scatter [tilespmem:s24], [sflag:$0x2], $0x400, s29, s28, $0x38;
	[tilespmem:$0x18000] =	vst v63  }
0x4e: {  	s24 =	sor.u32 $0x1C00, s0;
	s25 =	sadd.s32 $0x1C0, s1  }
0x4f: {  	[hbm4b:s25+s28] =	stream.strided.scatter [tilespmem:s24], [sflag:$0x2], $0x400, s29, s28, $0x38;
	[tilespmem:$0x18000] =	vst v63  }
0x50: {  	s24 =	sor.u32 $0x2000, s0;
	s25 =	sadd.s32 $0x200, s1  }
0x51: {  	[hbm4b:s25+s28] =	stream.strided.scatter [tilespmem:s24], [sflag:$0x2], $0x400, s29, s28, $0x38;
	[tilespmem:$0x18000] =	vst v63  }
0x52: {  	s24 =	sor.u32 $0x2400, s0;
	s25 =	sadd.s32 $0x240, s1  }
0x53: {  	[hbm4b:s25+s28] =	stream.strided.scatter [tilespmem:s24], [sflag:$0x2], $0x400, s29, s28, $0x38;
	[tilespmem:$0x18000] =	vst v63  }
0x54: {  	s24 =	sor.u32 $0x2800, s0;
	s25 =	sadd.s32 $0x280, s1  }
0x55: {  	[hbm4b:s25+s28] =	stream.strided.scatter [tilespmem:s24], [sflag:$0x2], $0x400, s29, s28, $0x38;
	[tilespmem:$0x18000] =	vst v63  }
0x56: {  	s24 =	sor.u32 $0x2C00, s0;
	s25 =	sadd.s32 $0x2C0, s1  }
0x57: {  	[hbm4b:s25+s28] =	stream.strided.scatter [tilespmem:s24], [sflag:$0x2], $0x400, s29, s28, $0x38;
	[tilespmem:$0x18000] =	vst v63  }
0x58: {  	s24 =	sor.u32 $0x3000, s0;
	s25 =	sadd.s32 $0x300, s1  }
0x59: {  	[hbm4b:s25+s28] =	stream.strided.scatter [tilespmem:s24], [sflag:$0x2], $0x400, s29, s28, $0x38;
	[tilespmem:$0x18000] =	vst v63  }
0x5a: {  	p1 =	por p0, p0;
	s24 =	sor.u32 $0x3400, s0;
	s25 =	sadd.s32 $0x340, s1  }
0x5b: {  	[hbm4b:s25+s28] =	stream.strided.scatter [tilespmem:s24], [sflag:$0x2], $0x400, s29, s28, $0x38;
	[tilespmem:$0x18000] =	vst v63  }
.Ltmp1:
0x5c: {  	s24 =	sor.u32 $0x3800, s0;
	s25 =	sadd.s32 $0x380, s1;
	(pc) =	sbr.rel @p1 .LBB2_4-.Ltmp1, $4  }
0x5d: {  	[hbm4b:s25+s28] =	stream.strided.scatter [tilespmem:s24], [sflag:$0x2], $0x400, s29, s28, $0x38;
	[tilespmem:$0x18000] =	vst v63  }
0x5e: {  	s0 =	sor.u32 $0x3C00, s0;
	s1 =	sadd.s32 $0x3C0, s1  }
0x5f: {  	[hbm4b:s1+s28] =	stream.strided.scatter [tilespmem:s0], [sflag:$0x2], $0x400, s29, s28, $0x38;
	[tilespmem:$0x18000] =	vst v63  }
0x60: {  	p0 =	por $0x0, $0x0;
	s1 =	simm.s32 $0x1  }
0x61: {  	s1 =	simm.s32 $0x0;
	p0 =	por $0x1, $0x1  }
.LBB2_6:
0x62: {  	s0 =	sshll.u32 s1, $0xE;
	s25 =	sshll.u32 s1, $0xD  }
0x63: {  	s0 =	sand.u32 $0x3FFFC000, s0;
	s1 =	sadd.s32 s25, s8  }
0x64: {  	[hbm4b:s1+s28] =	stream.strided.scatter [tilespmem:s0], [sflag:$0x2], $0x400, s29, s28, $0x38;
	[tilespmem:$0x18000] =	vst v63  }
0x65: {  	s24 =	sor.u32 $0x400, s0;
	s25 =	sadd.s32 $0x40, s1  }
0x66: {  	[hbm4b:s25+s28] =	stream.strided.scatter [tilespmem:s24], [sflag:$0x2], $0x400, s29, s28, $0x38;
	[tilespmem:$0x18000] =	vst v63  }
0x67: {  	s24 =	sor.u32 $0x800, s0;
	s25 =	sadd.s32 $0x80, s1  }
0x68: {  	[hbm4b:s25+s28] =	stream.strided.scatter [tilespmem:s24], [sflag:$0x2], $0x400, s29, s28, $0x38;
	[tilespmem:$0x18000] =	vst v63  }
0x69: {  	s24 =	sor.u32 $0xC00, s0;
	s25 =	sadd.s32 $0xC0, s1  }
0x6a: {  	[hbm4b:s25+s28] =	stream.strided.scatter [tilespmem:s24], [sflag:$0x2], $0x400, s29, s28, $0x38;
	[tilespmem:$0x18000] =	vst v63  }
0x6b: {  	s24 =	sor.u32 $0x1000, s0;
	s25 =	sadd.s32 $0x100, s1  }
0x6c: {  	[hbm4b:s25+s28] =	stream.strided.scatter [tilespmem:s24], [sflag:$0x2], $0x400, s29, s28, $0x38;
	[tilespmem:$0x18000] =	vst v63  }
0x6d: {  	s24 =	sor.u32 $0x1400, s0;
	s25 =	sadd.s32 $0x140, s1  }
0x6e: {  	[hbm4b:s25+s28] =	stream.strided.scatter [tilespmem:s24], [sflag:$0x2], $0x400, s29, s28, $0x38;
	[tilespmem:$0x18000] =	vst v63  }
0x6f: {  	s24 =	sor.u32 $0x1800, s0;
	s25 =	sadd.s32 $0x180, s1  }
0x70: {  	[hbm4b:s25+s28] =	stream.strided.scatter [tilespmem:s24], [sflag:$0x2], $0x400, s29, s28, $0x38;
	[tilespmem:$0x18000] =	vst v63  }
0x71: {  	s24 =	sor.u32 $0x1C00, s0;
	s25 =	sadd.s32 $0x1C0, s1  }
0x72: {  	[hbm4b:s25+s28] =	stream.strided.scatter [tilespmem:s24], [sflag:$0x2], $0x400, s29, s28, $0x38;
	[tilespmem:$0x18000] =	vst v63  }
0x73: {  	s24 =	sor.u32 $0x2000, s0;
	s25 =	sadd.s32 $0x200, s1  }
0x74: {  	[hbm4b:s25+s28] =	stream.strided.scatter [tilespmem:s24], [sflag:$0x2], $0x400, s29, s28, $0x38;
	[tilespmem:$0x18000] =	vst v63  }
0x75: {  	s24 =	sor.u32 $0x2400, s0;
	s25 =	sadd.s32 $0x240, s1  }
0x76: {  	[hbm4b:s25+s28] =	stream.strided.scatter [tilespmem:s24], [sflag:$0x2], $0x400, s29, s28, $0x38;
	[tilespmem:$0x18000] =	vst v63  }
0x77: {  	s24 =	sor.u32 $0x2800, s0;
	s25 =	sadd.s32 $0x280, s1  }
0x78: {  	[hbm4b:s25+s28] =	stream.strided.scatter [tilespmem:s24], [sflag:$0x2], $0x400, s29, s28, $0x38;
	[tilespmem:$0x18000] =	vst v63  }
0x79: {  	s24 =	sor.u32 $0x2C00, s0;
	s25 =	sadd.s32 $0x2C0, s1  }
0x7a: {  	[hbm4b:s25+s28] =	stream.strided.scatter [tilespmem:s24], [sflag:$0x2], $0x400, s29, s28, $0x38;
	[tilespmem:$0x18000] =	vst v63  }
0x7b: {  	s24 =	sor.u32 $0x3000, s0;
	s25 =	sadd.s32 $0x300, s1  }
0x7c: {  	[hbm4b:s25+s28] =	stream.strided.scatter [tilespmem:s24], [sflag:$0x2], $0x400, s29, s28, $0x38;
	[tilespmem:$0x18000] =	vst v63  }
0x7d: {  	p1 =	por p0, p0;
	s24 =	sor.u32 $0x3400, s0;
	s25 =	sadd.s32 $0x340, s1  }
0x7e: {  	[hbm4b:s25+s28] =	stream.strided.scatter [tilespmem:s24], [sflag:$0x2], $0x400, s29, s28, $0x38;
	[tilespmem:$0x18000] =	vst v63  }
.Ltmp2:
0x7f: {  	s24 =	sor.u32 $0x3800, s0;
	s25 =	sadd.s32 $0x380, s1;
	(pc) =	sbr.rel @p1 .LBB2_6-.Ltmp2, $4  }
0x80: {  	[hbm4b:s25+s28] =	stream.strided.scatter [tilespmem:s24], [sflag:$0x2], $0x400, s29, s28, $0x38;
	[tilespmem:$0x18000] =	vst v63  }
0x81: {  	s0 =	sor.u32 $0x3C00, s0;
	s1 =	sadd.s32 $0x3C0, s1  }
0x82: {  	[hbm4b:s1+s28] =	stream.strided.scatter [tilespmem:s0], [sflag:$0x2], $0x400, s29, s28, $0x38;
	[tilespmem:$0x18000] =	vst v63  }
0x83: {  	p0 =	por $0x0, $0x0;
	s1 =	simm.s32 $0x1  }
0x84: {  	s1 =	simm.s32 $0x0;
	p0 =	por $0x1, $0x1  }
.LBB2_8:
0x85: {  	s0 =	sshll.u32 s1, $0xE;
	s25 =	sshll.u32 s1, $0xD  }
0x86: {  	s0 =	sand.u32 $0x3FFFC000, s0;
	s1 =	sadd.s32 s25, s9  }
0x87: {  	[hbm4b:s1+s28] =	stream.strided.scatter [tilespmem:s0], [sflag:$0x2], $0x400, s29, s28, $0x38;
	[tilespmem:$0x18000] =	vst v63  }
0x88: {  	s24 =	sor.u32 $0x400, s0;
	s25 =	sadd.s32 $0x40, s1  }
0x89: {  	[hbm4b:s25+s28] =	stream.strided.scatter [tilespmem:s24], [sflag:$0x2], $0x400, s29, s28, $0x38;
	[tilespmem:$0x18000] =	vst v63  }
0x8a: {  	s24 =	sor.u32 $0x800, s0;
	s25 =	sadd.s32 $0x80, s1  }
0x8b: {  	[hbm4b:s25+s28] =	stream.strided.scatter [tilespmem:s24], [sflag:$0x2], $0x400, s29, s28, $0x38;
	[tilespmem:$0x18000] =	vst v63  }
0x8c: {  	s24 =	sor.u32 $0xC00, s0;
	s25 =	sadd.s32 $0xC0, s1  }
0x8d: {  	[hbm4b:s25+s28] =	stream.strided.scatter [tilespmem:s24], [sflag:$0x2], $0x400, s29, s28, $0x38;
	[tilespmem:$0x18000] =	vst v63  }
0x8e: {  	s24 =	sor.u32 $0x1000, s0;
	s25 =	sadd.s32 $0x100, s1  }
0x8f: {  	[hbm4b:s25+s28] =	stream.strided.scatter [tilespmem:s24], [sflag:$0x2], $0x400, s29, s28, $0x38;
	[tilespmem:$0x18000] =	vst v63  }
0x90: {  	s24 =	sor.u32 $0x1400, s0;
	s25 =	sadd.s32 $0x140, s1  }
0x91: {  	[hbm4b:s25+s28] =	stream.strided.scatter [tilespmem:s24], [sflag:$0x2], $0x400, s29, s28, $0x38;
	[tilespmem:$0x18000] =	vst v63  }
0x92: {  	s24 =	sor.u32 $0x1800, s0;
	s25 =	sadd.s32 $0x180, s1  }
0x93: {  	[hbm4b:s25+s28] =	stream.strided.scatter [tilespmem:s24], [sflag:$0x2], $0x400, s29, s28, $0x38;
	[tilespmem:$0x18000] =	vst v63  }
0x94: {  	s24 =	sor.u32 $0x1C00, s0;
	s25 =	sadd.s32 $0x1C0, s1  }
0x95: {  	[hbm4b:s25+s28] =	stream.strided.scatter [tilespmem:s24], [sflag:$0x2], $0x400, s29, s28, $0x38;
	[tilespmem:$0x18000] =	vst v63  }
0x96: {  	s24 =	sor.u32 $0x2000, s0;
	s25 =	sadd.s32 $0x200, s1  }
0x97: {  	[hbm4b:s25+s28] =	stream.strided.scatter [tilespmem:s24], [sflag:$0x2], $0x400, s29, s28, $0x38;
	[tilespmem:$0x18000] =	vst v63  }
0x98: {  	s24 =	sor.u32 $0x2400, s0;
	s25 =	sadd.s32 $0x240, s1  }
0x99: {  	[hbm4b:s25+s28] =	stream.strided.scatter [tilespmem:s24], [sflag:$0x2], $0x400, s29, s28, $0x38;
	[tilespmem:$0x18000] =	vst v63  }
0x9a: {  	s24 =	sor.u32 $0x2800, s0;
	s25 =	sadd.s32 $0x280, s1  }
0x9b: {  	[hbm4b:s25+s28] =	stream.strided.scatter [tilespmem:s24], [sflag:$0x2], $0x400, s29, s28, $0x38;
	[tilespmem:$0x18000] =	vst v63  }
0x9c: {  	s24 =	sor.u32 $0x2C00, s0;
	s25 =	sadd.s32 $0x2C0, s1  }
0x9d: {  	[hbm4b:s25+s28] =	stream.strided.scatter [tilespmem:s24], [sflag:$0x2], $0x400, s29, s28, $0x38;
	[tilespmem:$0x18000] =	vst v63  }
0x9e: {  	s24 =	sor.u32 $0x3000, s0;
	s25 =	sadd.s32 $0x300, s1  }
0x9f: {  	[hbm4b:s25+s28] =	stream.strided.scatter [tilespmem:s24], [sflag:$0x2], $0x400, s29, s28, $0x38;
	[tilespmem:$0x18000] =	vst v63  }
0xa0: {  	p1 =	por p0, p0;
	s24 =	sor.u32 $0x3400, s0;
	s25 =	sadd.s32 $0x340, s1  }
0xa1: {  	[hbm4b:s25+s28] =	stream.strided.scatter [tilespmem:s24], [sflag:$0x2], $0x400, s29, s28, $0x38;
	[tilespmem:$0x18000] =	vst v63  }
.Ltmp3:
0xa2: {  	s24 =	sor.u32 $0x3800, s0;
	s25 =	sadd.s32 $0x380, s1;
	(pc) =	sbr.rel @p1 .LBB2_8-.Ltmp3, $4  }
0xa3: {  	[hbm4b:s25+s28] =	stream.strided.scatter [tilespmem:s24], [sflag:$0x2], $0x400, s29, s28, $0x38;
	[tilespmem:$0x18000] =	vst v63  }
0xa4: {  	s0 =	sor.u32 $0x3C00, s0;
	s1 =	sadd.s32 $0x3C0, s1  }
0xa5: {  	[hbm4b:s1+s28] =	stream.strided.scatter [tilespmem:s0], [sflag:$0x2], $0x400, s29, s28, $0x38;
	[tilespmem:$0x18000] =	vst v63  }
0xa6: {  	p0 =	por $0x0, $0x0;
	s1 =	simm.s32 $0x1  }
0xa7: {  	_ =	swait.ge [sflag:s26], $0x8000  }
0xa8: {  	[sflag:s26] =	ssyncset.done $0x0  }
0xa9: {  	s1 =	simm.s32 $0x0;
	p0 =	por $0x1, $0x1;
	[sflag:s26] =	ssyncadd.s32 $0xFFFF8000  }
.LBB2_10:
0xaa: {  	s0 =	sshll.u32 s1, $0xE  }
0xab: {  	s25 =	sshll.u32 s1, $0xD;
	s0 =	sand.u32 $0x3FFFC000, s0  }
0xac: {  	s1 =	sadd.s32 s25, s10;
	s24 =	sadd.s32 $0x8000, s0  }
0xad: {  	[hbm4b:s1+s28] =	stream.strided.scatter [tilespmem:s24], [sflag:$0x2], $0x400, s29, s28, $0x38;
	[tilespmem:$0x18000] =	vst v63  }
0xae: {  	s25 =	sadd.s32 $0x40, s1;
	s24 =	sadd.s32 $0x8400, s0  }
0xaf: {  	[hbm4b:s25+s28] =	stream.strided.scatter [tilespmem:s24], [sflag:$0x2], $0x400, s29, s28, $0x38;
	[tilespmem:$0x18000] =	vst v63  }
0xb0: {  	s24 =	sadd.s32 $0x8800, s0;
	s25 =	sadd.s32 $0x80, s1  }
0xb1: {  	[hbm4b:s25+s28] =	stream.strided.scatter [tilespmem:s24], [sflag:$0x2], $0x400, s29, s28, $0x38;
	[tilespmem:$0x18000] =	vst v63  }
0xb2: {  	s24 =	sadd.s32 $0x8C00, s0;
	s25 =	sadd.s32 $0xC0, s1  }
0xb3: {  	[hbm4b:s25+s28] =	stream.strided.scatter [tilespmem:s24], [sflag:$0x2], $0x400, s29, s28, $0x38;
	[tilespmem:$0x18000] =	vst v63  }
0xb4: {  	s24 =	sadd.s32 $0x9000, s0;
	s25 =	sadd.s32 $0x100, s1  }
0xb5: {  	[hbm4b:s25+s28] =	stream.strided.scatter [tilespmem:s24], [sflag:$0x2], $0x400, s29, s28, $0x38;
	[tilespmem:$0x18000] =	vst v63  }
0xb6: {  	s24 =	sadd.s32 $0x9400, s0;
	s25 =	sadd.s32 $0x140, s1  }
0xb7: {  	[hbm4b:s25+s28] =	stream.strided.scatter [tilespmem:s24], [sflag:$0x2], $0x400, s29, s28, $0x38;
	[tilespmem:$0x18000] =	vst v63  }
0xb8: {  	s24 =	sadd.s32 $0x9800, s0;
	s25 =	sadd.s32 $0x180, s1  }
0xb9: {  	[hbm4b:s25+s28] =	stream.strided.scatter [tilespmem:s24], [sflag:$0x2], $0x400, s29, s28, $0x38;
	[tilespmem:$0x18000] =	vst v63  }
0xba: {  	s24 =	sadd.s32 $0x9C00, s0;
	s25 =	sadd.s32 $0x1C0, s1  }
0xbb: {  	[hbm4b:s25+s28] =	stream.strided.scatter [tilespmem:s24], [sflag:$0x2], $0x400, s29, s28, $0x38;
	[tilespmem:$0x18000] =	vst v63  }
0xbc: {  	s24 =	sadd.s32 $0xA000, s0;
	s25 =	sadd.s32 $0x200, s1  }
0xbd: {  	[hbm4b:s25+s28] =	stream.strided.scatter [tilespmem:s24], [sflag:$0x2], $0x400, s29, s28, $0x38;
	[tilespmem:$0x18000] =	vst v63  }
0xbe: {  	s24 =	sadd.s32 $0xA400, s0;
	s25 =	sadd.s32 $0x240, s1  }
0xbf: {  	[hbm4b:s25+s28] =	stream.strided.scatter [tilespmem:s24], [sflag:$0x2], $0x400, s29, s28, $0x38;
	[tilespmem:$0x18000] =	vst v63  }
0xc0: {  	s24 =	sadd.s32 $0xA800, s0;
	s25 =	sadd.s32 $0x280, s1  }
0xc1: {  	[hbm4b:s25+s28] =	stream.strided.scatter [tilespmem:s24], [sflag:$0x2], $0x400, s29, s28, $0x38;
	[tilespmem:$0x18000] =	vst v63  }
0xc2: {  	s24 =	sadd.s32 $0xAC00, s0;
	s25 =	sadd.s32 $0x2C0, s1  }
0xc3: {  	[hbm4b:s25+s28] =	stream.strided.scatter [tilespmem:s24], [sflag:$0x2], $0x400, s29, s28, $0x38;
	[tilespmem:$0x18000] =	vst v63  }
0xc4: {  	s24 =	sadd.s32 $0xB000, s0;
	s25 =	sadd.s32 $0x300, s1  }
0xc5: {  	[hbm4b:s25+s28] =	stream.strided.scatter [tilespmem:s24], [sflag:$0x2], $0x400, s29, s28, $0x38;
	[tilespmem:$0x18000] =	vst v63  }
0xc6: {  	p1 =	por p0, p0;
	s24 =	sadd.s32 $0xB400, s0;
	s25 =	sadd.s32 $0x340, s1  }
0xc7: {  	[hbm4b:s25+s28] =	stream.strided.scatter [tilespmem:s24], [sflag:$0x2], $0x400, s29, s28, $0x38;
	[tilespmem:$0x18000] =	vst v63  }
.Ltmp4:
0xc8: {  	s24 =	sadd.s32 $0xB800, s0;
	s25 =	sadd.s32 $0x380, s1;
	(pc) =	sbr.rel @p1 .LBB2_10-.Ltmp4, $4  }
0xc9: {  	[hbm4b:s25+s28] =	stream.strided.scatter [tilespmem:s24], [sflag:$0x2], $0x400, s29, s28, $0x38;
	[tilespmem:$0x18000] =	vst v63  }
0xca: {  	s0 =	sadd.s32 $0xBC00, s0;
	s1 =	sadd.s32 $0x3C0, s1  }
0xcb: {  	[hbm4b:s1+s28] =	stream.strided.scatter [tilespmem:s0], [sflag:$0x2], $0x400, s29, s28, $0x38;
	[tilespmem:$0x18000] =	vst v63  }
0xcc: {  	p0 =	por $0x0, $0x0;
	s1 =	simm.s32 $0x1  }
0xcd: {  	s1 =	simm.s32 $0x0;
	p0 =	por $0x1, $0x1  }
.LBB2_12:
0xce: {  	s0 =	sshll.u32 s1, $0xE  }
0xcf: {  	s25 =	sshll.u32 s1, $0xD;
	s0 =	sand.u32 $0x3FFFC000, s0  }
0xd0: {  	s1 =	sadd.s32 s25, s11;
	s24 =	sadd.s32 $0x8000, s0  }
0xd1: {  	[hbm4b:s1+s28] =	stream.strided.scatter [tilespmem:s24], [sflag:$0x2], $0x400, s29, s28, $0x38;
	[tilespmem:$0x18000] =	vst v63  }
0xd2: {  	s25 =	sadd.s32 $0x40, s1;
	s24 =	sadd.s32 $0x8400, s0  }
0xd3: {  	[hbm4b:s25+s28] =	stream.strided.scatter [tilespmem:s24], [sflag:$0x2], $0x400, s29, s28, $0x38;
	[tilespmem:$0x18000] =	vst v63  }
0xd4: {  	s24 =	sadd.s32 $0x8800, s0;
	s25 =	sadd.s32 $0x80, s1  }
0xd5: {  	[hbm4b:s25+s28] =	stream.strided.scatter [tilespmem:s24], [sflag:$0x2], $0x400, s29, s28, $0x38;
	[tilespmem:$0x18000] =	vst v63  }
0xd6: {  	s24 =	sadd.s32 $0x8C00, s0;
	s25 =	sadd.s32 $0xC0, s1  }
0xd7: {  	[hbm4b:s25+s28] =	stream.strided.scatter [tilespmem:s24], [sflag:$0x2], $0x400, s29, s28, $0x38;
	[tilespmem:$0x18000] =	vst v63  }
0xd8: {  	s24 =	sadd.s32 $0x9000, s0;
	s25 =	sadd.s32 $0x100, s1  }
0xd9: {  	[hbm4b:s25+s28] =	stream.strided.scatter [tilespmem:s24], [sflag:$0x2], $0x400, s29, s28, $0x38;
	[tilespmem:$0x18000] =	vst v63  }
0xda: {  	s24 =	sadd.s32 $0x9400, s0;
	s25 =	sadd.s32 $0x140, s1  }
0xdb: {  	[hbm4b:s25+s28] =	stream.strided.scatter [tilespmem:s24], [sflag:$0x2], $0x400, s29, s28, $0x38;
	[tilespmem:$0x18000] =	vst v63  }
0xdc: {  	s24 =	sadd.s32 $0x9800, s0;
	s25 =	sadd.s32 $0x180, s1  }
0xdd: {  	[hbm4b:s25+s28] =	stream.strided.scatter [tilespmem:s24], [sflag:$0x2], $0x400, s29, s28, $0x38;
	[tilespmem:$0x18000] =	vst v63  }
0xde: {  	s24 =	sadd.s32 $0x9C00, s0;
	s25 =	sadd.s32 $0x1C0, s1  }
0xdf: {  	[hbm4b:s25+s28] =	stream.strided.scatter [tilespmem:s24], [sflag:$0x2], $0x400, s29, s28, $0x38;
	[tilespmem:$0x18000] =	vst v63  }
0xe0: {  	s24 =	sadd.s32 $0xA000, s0;
	s25 =	sadd.s32 $0x200, s1  }
0xe1: {  	[hbm4b:s25+s28] =	stream.strided.scatter [tilespmem:s24], [sflag:$0x2], $0x400, s29, s28, $0x38;
	[tilespmem:$0x18000] =	vst v63  }
0xe2: {  	s24 =	sadd.s32 $0xA400, s0;
	s25 =	sadd.s32 $0x240, s1  }
0xe3: {  	[hbm4b:s25+s28] =	stream.strided.scatter [tilespmem:s24], [sflag:$0x2], $0x400, s29, s28, $0x38;
	[tilespmem:$0x18000] =	vst v63  }
0xe4: {  	s24 =	sadd.s32 $0xA800, s0;
	s25 =	sadd.s32 $0x280, s1  }
0xe5: {  	[hbm4b:s25+s28] =	stream.strided.scatter [tilespmem:s24], [sflag:$0x2], $0x400, s29, s28, $0x38;
	[tilespmem:$0x18000] =	vst v63  }
0xe6: {  	s24 =	sadd.s32 $0xAC00, s0;
	s25 =	sadd.s32 $0x2C0, s1  }
0xe7: {  	[hbm4b:s25+s28] =	stream.strided.scatter [tilespmem:s24], [sflag:$0x2], $0x400, s29, s28, $0x38;
	[tilespmem:$0x18000] =	vst v63  }
0xe8: {  	s24 =	sadd.s32 $0xB000, s0;
	s25 =	sadd.s32 $0x300, s1  }
0xe9: {  	[hbm4b:s25+s28] =	stream.strided.scatter [tilespmem:s24], [sflag:$0x2], $0x400, s29, s28, $0x38;
	[tilespmem:$0x18000] =	vst v63  }
0xea: {  	p1 =	por p0, p0;
	s24 =	sadd.s32 $0xB400, s0;
	s25 =	sadd.s32 $0x340, s1  }
0xeb: {  	[hbm4b:s25+s28] =	stream.strided.scatter [tilespmem:s24], [sflag:$0x2], $0x400, s29, s28, $0x38;
	[tilespmem:$0x18000] =	vst v63  }
.Ltmp5:
0xec: {  	s24 =	sadd.s32 $0xB800, s0;
	s25 =	sadd.s32 $0x380, s1;
	(pc) =	sbr.rel @p1 .LBB2_12-.Ltmp5, $4  }
0xed: {  	[hbm4b:s25+s28] =	stream.strided.scatter [tilespmem:s24], [sflag:$0x2], $0x400, s29, s28, $0x38;
	[tilespmem:$0x18000] =	vst v63  }
0xee: {  	s0 =	sadd.s32 $0xBC00, s0;
	s1 =	sadd.s32 $0x3C0, s1  }
0xef: {  	[hbm4b:s1+s28] =	stream.strided.scatter [tilespmem:s0], [sflag:$0x2], $0x400, s29, s28, $0x38;
	[tilespmem:$0x18000] =	vst v63  }
0xf0: {  	p0 =	por $0x0, $0x0;
	s1 =	simm.s32 $0x1  }
0xf1: {  	s1 =	simm.s32 $0x0;
	p0 =	por $0x1, $0x1  }
.LBB2_14:
0xf2: {  	s0 =	sshll.u32 s1, $0xE  }
0xf3: {  	s25 =	sshll.u32 s1, $0xD;
	s0 =	sand.u32 $0x3FFFC000, s0  }
0xf4: {  	s1 =	sadd.s32 s25, s12;
	s24 =	sadd.s32 $0x8000, s0  }
0xf5: {  	[hbm4b:s1+s28] =	stream.strided.scatter [tilespmem:s24], [sflag:$0x2], $0x400, s29, s28, $0x38;
	[tilespmem:$0x18000] =	vst v63  }
0xf6: {  	s25 =	sadd.s32 $0x40, s1;
	s24 =	sadd.s32 $0x8400, s0  }
0xf7: {  	[hbm4b:s25+s28] =	stream.strided.scatter [tilespmem:s24], [sflag:$0x2], $0x400, s29, s28, $0x38;
	[tilespmem:$0x18000] =	vst v63  }
0xf8: {  	s24 =	sadd.s32 $0x8800, s0;
	s25 =	sadd.s32 $0x80, s1  }
0xf9: {  	[hbm4b:s25+s28] =	stream.strided.scatter [tilespmem:s24], [sflag:$0x2], $0x400, s29, s28, $0x38;
	[tilespmem:$0x18000] =	vst v63  }
0xfa: {  	s24 =	sadd.s32 $0x8C00, s0;
	s25 =	sadd.s32 $0xC0, s1  }
0xfb: {  	[hbm4b:s25+s28] =	stream.strided.scatter [tilespmem:s24], [sflag:$0x2], $0x400, s29, s28, $0x38;
	[tilespmem:$0x18000] =	vst v63  }
0xfc: {  	s24 =	sadd.s32 $0x9000, s0;
	s25 =	sadd.s32 $0x100, s1  }
0xfd: {  	[hbm4b:s25+s28] =	stream.strided.scatter [tilespmem:s24], [sflag:$0x2], $0x400, s29, s28, $0x38;
	[tilespmem:$0x18000] =	vst v63  }
0xfe: {  	s24 =	sadd.s32 $0x9400, s0;
	s25 =	sadd.s32 $0x140, s1  }
0xff: {  	[hbm4b:s25+s28] =	stream.strided.scatter [tilespmem:s24], [sflag:$0x2], $0x400, s29, s28, $0x38;
	[tilespmem:$0x18000] =	vst v63  }
0x100: {  	s24 =	sadd.s32 $0x9800, s0;
	s25 =	sadd.s32 $0x180, s1  }
0x101: {  	[hbm4b:s25+s28] =	stream.strided.scatter [tilespmem:s24], [sflag:$0x2], $0x400, s29, s28, $0x38;
	[tilespmem:$0x18000] =	vst v63  }
0x102: {  	s24 =	sadd.s32 $0x9C00, s0;
	s25 =	sadd.s32 $0x1C0, s1  }
0x103: {  	[hbm4b:s25+s28] =	stream.strided.scatter [tilespmem:s24], [sflag:$0x2], $0x400, s29, s28, $0x38;
	[tilespmem:$0x18000] =	vst v63  }
0x104: {  	s24 =	sadd.s32 $0xA000, s0;
	s25 =	sadd.s32 $0x200, s1  }
0x105: {  	[hbm4b:s25+s28] =	stream.strided.scatter [tilespmem:s24], [sflag:$0x2], $0x400, s29, s28, $0x38;
	[tilespmem:$0x18000] =	vst v63  }
0x106: {  	s24 =	sadd.s32 $0xA400, s0;
	s25 =	sadd.s32 $0x240, s1  }
0x107: {  	[hbm4b:s25+s28] =	stream.strided.scatter [tilespmem:s24], [sflag:$0x2], $0x400, s29, s28, $0x38;
	[tilespmem:$0x18000] =	vst v63  }
0x108: {  	s24 =	sadd.s32 $0xA800, s0;
	s25 =	sadd.s32 $0x280, s1  }
0x109: {  	[hbm4b:s25+s28] =	stream.strided.scatter [tilespmem:s24], [sflag:$0x2], $0x400, s29, s28, $0x38;
	[tilespmem:$0x18000] =	vst v63  }
0x10a: {  	s24 =	sadd.s32 $0xAC00, s0;
	s25 =	sadd.s32 $0x2C0, s1  }
0x10b: {  	[hbm4b:s25+s28] =	stream.strided.scatter [tilespmem:s24], [sflag:$0x2], $0x400, s29, s28, $0x38;
	[tilespmem:$0x18000] =	vst v63  }
0x10c: {  	s24 =	sadd.s32 $0xB000, s0;
	s25 =	sadd.s32 $0x300, s1  }
0x10d: {  	[hbm4b:s25+s28] =	stream.strided.scatter [tilespmem:s24], [sflag:$0x2], $0x400, s29, s28, $0x38;
	[tilespmem:$0x18000] =	vst v63  }
0x10e: {  	p1 =	por p0, p0;
	s24 =	sadd.s32 $0xB400, s0;
	s25 =	sadd.s32 $0x340, s1  }
0x10f: {  	[hbm4b:s25+s28] =	stream.strided.scatter [tilespmem:s24], [sflag:$0x2], $0x400, s29, s28, $0x38;
	[tilespmem:$0x18000] =	vst v63  }
.Ltmp6:
0x110: {  	s24 =	sadd.s32 $0xB800, s0;
	s25 =	sadd.s32 $0x380, s1;
	(pc) =	sbr.rel @p1 .LBB2_14-.Ltmp6, $4  }
0x111: {  	[hbm4b:s25+s28] =	stream.strided.scatter [tilespmem:s24], [sflag:$0x2], $0x400, s29, s28, $0x38;
	[tilespmem:$0x18000] =	vst v63  }
0x112: {  	s0 =	sadd.s32 $0xBC00, s0;
	s1 =	sadd.s32 $0x3C0, s1  }
0x113: {  	[hbm4b:s1+s28] =	stream.strided.scatter [tilespmem:s0], [sflag:$0x2], $0x400, s29, s28, $0x38;
	[tilespmem:$0x18000] =	vst v63  }
0x114: {  	p0 =	por $0x0, $0x0;
	s1 =	simm.s32 $0x1  }
0x115: {  	s1 =	simm.s32 $0x0;
	p0 =	por $0x1, $0x1  }
.LBB2_16:
0x116: {  	s0 =	sshll.u32 s1, $0xE  }
0x117: {  	s25 =	sshll.u32 s1, $0xD;
	s0 =	sand.u32 $0x3FFFC000, s0  }
0x118: {  	s1 =	sadd.s32 s25, s13;
	s24 =	sadd.s32 $0x8000, s0  }
0x119: {  	[hbm4b:s1+s28] =	stream.strided.scatter [tilespmem:s24], [sflag:$0x2], $0x400, s29, s28, $0x38;
	[tilespmem:$0x18000] =	vst v63  }
0x11a: {  	s25 =	sadd.s32 $0x40, s1;
	s24 =	sadd.s32 $0x8400, s0  }
0x11b: {  	[hbm4b:s25+s28] =	stream.strided.scatter [tilespmem:s24], [sflag:$0x2], $0x400, s29, s28, $0x38;
	[tilespmem:$0x18000] =	vst v63  }
0x11c: {  	s24 =	sadd.s32 $0x8800, s0;
	s25 =	sadd.s32 $0x80, s1  }
0x11d: {  	[hbm4b:s25+s28] =	stream.strided.scatter [tilespmem:s24], [sflag:$0x2], $0x400, s29, s28, $0x38;
	[tilespmem:$0x18000] =	vst v63  }
0x11e: {  	s24 =	sadd.s32 $0x8C00, s0;
	s25 =	sadd.s32 $0xC0, s1  }
0x11f: {  	[hbm4b:s25+s28] =	stream.strided.scatter [tilespmem:s24], [sflag:$0x2], $0x400, s29, s28, $0x38;
	[tilespmem:$0x18000] =	vst v63  }
0x120: {  	s24 =	sadd.s32 $0x9000, s0;
	s25 =	sadd.s32 $0x100, s1  }
0x121: {  	[hbm4b:s25+s28] =	stream.strided.scatter [tilespmem:s24], [sflag:$0x2], $0x400, s29, s28, $0x38;
	[tilespmem:$0x18000] =	vst v63  }
0x122: {  	s24 =	sadd.s32 $0x9400, s0;
	s25 =	sadd.s32 $0x140, s1  }
0x123: {  	[hbm4b:s25+s28] =	stream.strided.scatter [tilespmem:s24], [sflag:$0x2], $0x400, s29, s28, $0x38;
	[tilespmem:$0x18000] =	vst v63  }
0x124: {  	s24 =	sadd.s32 $0x9800, s0;
	s25 =	sadd.s32 $0x180, s1  }
0x125: {  	[hbm4b:s25+s28] =	stream.strided.scatter [tilespmem:s24], [sflag:$0x2], $0x400, s29, s28, $0x38;
	[tilespmem:$0x18000] =	vst v63  }
0x126: {  	s24 =	sadd.s32 $0x9C00, s0;
	s25 =	sadd.s32 $0x1C0, s1  }
0x127: {  	[hbm4b:s25+s28] =	stream.strided.scatter [tilespmem:s24], [sflag:$0x2], $0x400, s29, s28, $0x38;
	[tilespmem:$0x18000] =	vst v63  }
0x128: {  	s24 =	sadd.s32 $0xA000, s0;
	s25 =	sadd.s32 $0x200, s1  }
0x129: {  	[hbm4b:s25+s28] =	stream.strided.scatter [tilespmem:s24], [sflag:$0x2], $0x400, s29, s28, $0x38;
	[tilespmem:$0x18000] =	vst v63  }
0x12a: {  	s24 =	sadd.s32 $0xA400, s0;
	s25 =	sadd.s32 $0x240, s1  }
0x12b: {  	[hbm4b:s25+s28] =	stream.strided.scatter [tilespmem:s24], [sflag:$0x2], $0x400, s29, s28, $0x38;
	[tilespmem:$0x18000] =	vst v63  }
0x12c: {  	s24 =	sadd.s32 $0xA800, s0;
	s25 =	sadd.s32 $0x280, s1  }
0x12d: {  	[hbm4b:s25+s28] =	stream.strided.scatter [tilespmem:s24], [sflag:$0x2], $0x400, s29, s28, $0x38;
	[tilespmem:$0x18000] =	vst v63  }
0x12e: {  	s24 =	sadd.s32 $0xAC00, s0;
	s25 =	sadd.s32 $0x2C0, s1  }
0x12f: {  	[hbm4b:s25+s28] =	stream.strided.scatter [tilespmem:s24], [sflag:$0x2], $0x400, s29, s28, $0x38;
	[tilespmem:$0x18000] =	vst v63  }
0x130: {  	s24 =	sadd.s32 $0xB000, s0;
	s25 =	sadd.s32 $0x300, s1  }
0x131: {  	[hbm4b:s25+s28] =	stream.strided.scatter [tilespmem:s24], [sflag:$0x2], $0x400, s29, s28, $0x38;
	[tilespmem:$0x18000] =	vst v63  }
0x132: {  	p1 =	por p0, p0;
	s24 =	sadd.s32 $0xB400, s0;
	s25 =	sadd.s32 $0x340, s1  }
0x133: {  	[hbm4b:s25+s28] =	stream.strided.scatter [tilespmem:s24], [sflag:$0x2], $0x400, s29, s28, $0x38;
	[tilespmem:$0x18000] =	vst v63  }
.Ltmp7:
0x134: {  	s24 =	sadd.s32 $0xB800, s0;
	s25 =	sadd.s32 $0x380, s1;
	(pc) =	sbr.rel @p1 .LBB2_16-.Ltmp7, $4  }
0x135: {  	[hbm4b:s25+s28] =	stream.strided.scatter [tilespmem:s24], [sflag:$0x2], $0x400, s29, s28, $0x38;
	[tilespmem:$0x18000] =	vst v63  }
0x136: {  	s0 =	sadd.s32 $0xBC00, s0;
	s1 =	sadd.s32 $0x3C0, s1  }
0x137: {  	[hbm4b:s1+s28] =	stream.strided.scatter [tilespmem:s0], [sflag:$0x2], $0x400, s29, s28, $0x38;
	[tilespmem:$0x18000] =	vst v63  }
0x138: {  	p0 =	por $0x0, $0x0;
	s1 =	simm.s32 $0x1  }
0x139: {  	_ =	swait.ge [sflag:s30], $0x8000  }
0x13a: {  	[sflag:s30] =	ssyncset.done $0x0  }
0x13b: {  	[sflag:s30] =	ssyncadd.s32 $0xFFFF8000  }
0x13c: {  	_ =	swait.ge [sflag:s30], $0x8000  }
0x13d: {  	[sflag:s30] =	ssyncset.done $0x0  }
0x13e: {  	[sflag:s30] =	ssyncadd.s32 $0xFFFF8000  }
0x13f: {  	_ =	swait.ge [sflag:s30], $0x8000  }
0x140: {  	[sflag:s30] =	ssyncset.done $0x0  }
0x141: {  	[sflag:s30] =	ssyncadd.s32 $0xFFFF8000  }
0x142: {  	_ =	swait.ge [sflag:s30], $0x8000  }
0x143: {  	[sflag:s30] =	ssyncset.done $0x0  }
0x144: {  	s1 =	simm.s32 $0x0;
	[sflag:s30] =	ssyncadd.s32 $0xFFFF8000  }
0x145: {  	[tilespmem:s1], [sflag:$0x1] =	stream.linear.gather [hbm4b:s14+s1], $0x8000, $0x38;
	[tilespmem:$0x18000] =	vst v63  }
0x146: {  	_ =	swait.ge [sflag:s26], $0x8000  }
0x147: {  	[sflag:s26] =	ssyncset.done $0x0  }
0x148: {  	p0 =	por $0x1, $0x1;
	[sflag:s26] =	ssyncadd.s32 $0xFFFF8000  }
.LBB2_18:
0x149: {  	s0 =	sshll.u32 s1, $0xE  }
0x14a: {  	s25 =	sshll.u32 s1, $0xD;
	s0 =	sand.u32 $0x3FFFC000, s0  }
0x14b: {  	s1 =	sadd.s32 s25, s15;
	s24 =	sadd.s32 $0x10000, s0  }
0x14c: {  	[hbm4b:s1+s28] =	stream.strided.scatter [tilespmem:s24], [sflag:$0x2], $0x400, s29, s28, $0x38;
	[tilespmem:$0x18000] =	vst v63  }
0x14d: {  	s25 =	sadd.s32 $0x40, s1;
	s24 =	sadd.s32 $0x10400, s0  }
0x14e: {  	[hbm4b:s25+s28] =	stream.strided.scatter [tilespmem:s24], [sflag:$0x2], $0x400, s29, s28, $0x38;
	[tilespmem:$0x18000] =	vst v63  }
0x14f: {  	s24 =	sadd.s32 $0x10800, s0;
	s25 =	sadd.s32 $0x80, s1  }
0x150: {  	[hbm4b:s25+s28] =	stream.strided.scatter [tilespmem:s24], [sflag:$0x2], $0x400, s29, s28, $0x38;
	[tilespmem:$0x18000] =	vst v63  }
0x151: {  	s24 =	sadd.s32 $0x10C00, s0;
	s25 =	sadd.s32 $0xC0, s1  }
0x152: {  	[hbm4b:s25+s28] =	stream.strided.scatter [tilespmem:s24], [sflag:$0x2], $0x400, s29, s28, $0x38;
	[tilespmem:$0x18000] =	vst v63  }
0x153: {  	s24 =	sadd.s32 $0x11000, s0;
	s25 =	sadd.s32 $0x100, s1  }
0x154: {  	[hbm4b:s25+s28] =	stream.strided.scatter [tilespmem:s24], [sflag:$0x2], $0x400, s29, s28, $0x38;
	[tilespmem:$0x18000] =	vst v63  }
0x155: {  	s24 =	sadd.s32 $0x11400, s0;
	s25 =	sadd.s32 $0x140, s1  }
0x156: {  	[hbm4b:s25+s28] =	stream.strided.scatter [tilespmem:s24], [sflag:$0x2], $0x400, s29, s28, $0x38;
	[tilespmem:$0x18000] =	vst v63  }
0x157: {  	s24 =	sadd.s32 $0x11800, s0;
	s25 =	sadd.s32 $0x180, s1  }
0x158: {  	[hbm4b:s25+s28] =	stream.strided.scatter [tilespmem:s24], [sflag:$0x2], $0x400, s29, s28, $0x38;
	[tilespmem:$0x18000] =	vst v63  }
0x159: {  	s24 =	sadd.s32 $0x11C00, s0;
	s25 =	sadd.s32 $0x1C0, s1  }
0x15a: {  	[hbm4b:s25+s28] =	stream.strided.scatter [tilespmem:s24], [sflag:$0x2], $0x400, s29, s28, $0x38;
	[tilespmem:$0x18000] =	vst v63  }
0x15b: {  	s24 =	sadd.s32 $0x12000, s0;
	s25 =	sadd.s32 $0x200, s1  }
0x15c: {  	[hbm4b:s25+s28] =	stream.strided.scatter [tilespmem:s24], [sflag:$0x2], $0x400, s29, s28, $0x38;
	[tilespmem:$0x18000] =	vst v63  }
0x15d: {  	s24 =	sadd.s32 $0x12400, s0;
	s25 =	sadd.s32 $0x240, s1  }
0x15e: {  	[hbm4b:s25+s28] =	stream.strided.scatter [tilespmem:s24], [sflag:$0x2], $0x400, s29, s28, $0x38;
	[tilespmem:$0x18000] =	vst v63  }
0x15f: {  	s24 =	sadd.s32 $0x12800, s0;
	s25 =	sadd.s32 $0x280, s1  }
0x160: {  	[hbm4b:s25+s28] =	stream.strided.scatter [tilespmem:s24], [sflag:$0x2], $0x400, s29, s28, $0x38;
	[tilespmem:$0x18000] =	vst v63  }
0x161: {  	s24 =	sadd.s32 $0x12C00, s0;
	s25 =	sadd.s32 $0x2C0, s1  }
0x162: {  	[hbm4b:s25+s28] =	stream.strided.scatter [tilespmem:s24], [sflag:$0x2], $0x400, s29, s28, $0x38;
	[tilespmem:$0x18000] =	vst v63  }
0x163: {  	s24 =	sadd.s32 $0x13000, s0;
	s25 =	sadd.s32 $0x300, s1  }
0x164: {  	[hbm4b:s25+s28] =	stream.strided.scatter [tilespmem:s24], [sflag:$0x2], $0x400, s29, s28, $0x38;
	[tilespmem:$0x18000] =	vst v63  }
0x165: {  	p1 =	por p0, p0;
	s24 =	sadd.s32 $0x13400, s0;
	s25 =	sadd.s32 $0x340, s1  }
0x166: {  	[hbm4b:s25+s28] =	stream.strided.scatter [tilespmem:s24], [sflag:$0x2], $0x400, s29, s28, $0x38;
	[tilespmem:$0x18000] =	vst v63  }
.Ltmp8:
0x167: {  	s24 =	sadd.s32 $0x13800, s0;
	s25 =	sadd.s32 $0x380, s1;
	(pc) =	sbr.rel @p1 .LBB2_18-.Ltmp8, $4  }
0x168: {  	[hbm4b:s25+s28] =	stream.strided.scatter [tilespmem:s24], [sflag:$0x2], $0x400, s29, s28, $0x38;
	[tilespmem:$0x18000] =	vst v63  }
0x169: {  	s0 =	sadd.s32 $0x13C00, s0;
	s1 =	sadd.s32 $0x3C0, s1  }
0x16a: {  	[hbm4b:s1+s28] =	stream.strided.scatter [tilespmem:s0], [sflag:$0x2], $0x400, s29, s28, $0x38;
	[tilespmem:$0x18000] =	vst v63  }
0x16b: {  	p0 =	por $0x0, $0x0;
	s1 =	simm.s32 $0x1  }
0x16c: {  	s1 =	simm.s32 $0x0;
	p0 =	por $0x1, $0x1  }
.LBB2_20:
0x16d: {  	s0 =	sshll.u32 s1, $0xE  }
0x16e: {  	s25 =	sshll.u32 s1, $0xD;
	s0 =	sand.u32 $0x3FFFC000, s0  }
0x16f: {  	s1 =	sadd.s32 s25, s16;
	s24 =	sadd.s32 $0x10000, s0  }
0x170: {  	[hbm4b:s1+s28] =	stream.strided.scatter [tilespmem:s24], [sflag:$0x2], $0x400, s29, s28, $0x38;
	[tilespmem:$0x18000] =	vst v63  }
0x171: {  	s25 =	sadd.s32 $0x40, s1;
	s24 =	sadd.s32 $0x10400, s0  }
0x172: {  	[hbm4b:s25+s28] =	stream.strided.scatter [tilespmem:s24], [sflag:$0x2], $0x400, s29, s28, $0x38;
	[tilespmem:$0x18000] =	vst v63  }
0x173: {  	s24 =	sadd.s32 $0x10800, s0;
	s25 =	sadd.s32 $0x80, s1  }
0x174: {  	[hbm4b:s25+s28] =	stream.strided.scatter [tilespmem:s24], [sflag:$0x2], $0x400, s29, s28, $0x38;
	[tilespmem:$0x18000] =	vst v63  }
0x175: {  	s24 =	sadd.s32 $0x10C00, s0;
	s25 =	sadd.s32 $0xC0, s1  }
0x176: {  	[hbm4b:s25+s28] =	stream.strided.scatter [tilespmem:s24], [sflag:$0x2], $0x400, s29, s28, $0x38;
	[tilespmem:$0x18000] =	vst v63  }
0x177: {  	s24 =	sadd.s32 $0x11000, s0;
	s25 =	sadd.s32 $0x100, s1  }
0x178: {  	[hbm4b:s25+s28] =	stream.strided.scatter [tilespmem:s24], [sflag:$0x2], $0x400, s29, s28, $0x38;
	[tilespmem:$0x18000] =	vst v63  }
0x179: {  	s24 =	sadd.s32 $0x11400, s0;
	s25 =	sadd.s32 $0x140, s1  }
0x17a: {  	[hbm4b:s25+s28] =	stream.strided.scatter [tilespmem:s24], [sflag:$0x2], $0x400, s29, s28, $0x38;
	[tilespmem:$0x18000] =	vst v63  }
0x17b: {  	s24 =	sadd.s32 $0x11800, s0;
	s25 =	sadd.s32 $0x180, s1  }
0x17c: {  	[hbm4b:s25+s28] =	stream.strided.scatter [tilespmem:s24], [sflag:$0x2], $0x400, s29, s28, $0x38;
	[tilespmem:$0x18000] =	vst v63  }
0x17d: {  	s24 =	sadd.s32 $0x11C00, s0;
	s25 =	sadd.s32 $0x1C0, s1  }
0x17e: {  	[hbm4b:s25+s28] =	stream.strided.scatter [tilespmem:s24], [sflag:$0x2], $0x400, s29, s28, $0x38;
	[tilespmem:$0x18000] =	vst v63  }
0x17f: {  	s24 =	sadd.s32 $0x12000, s0;
	s25 =	sadd.s32 $0x200, s1  }
0x180: {  	[hbm4b:s25+s28] =	stream.strided.scatter [tilespmem:s24], [sflag:$0x2], $0x400, s29, s28, $0x38;
	[tilespmem:$0x18000] =	vst v63  }
0x181: {  	s24 =	sadd.s32 $0x12400, s0;
	s25 =	sadd.s32 $0x240, s1  }
0x182: {  	[hbm4b:s25+s28] =	stream.strided.scatter [tilespmem:s24], [sflag:$0x2], $0x400, s29, s28, $0x38;
	[tilespmem:$0x18000] =	vst v63  }
0x183: {  	s24 =	sadd.s32 $0x12800, s0;
	s25 =	sadd.s32 $0x280, s1  }
0x184: {  	[hbm4b:s25+s28] =	stream.strided.scatter [tilespmem:s24], [sflag:$0x2], $0x400, s29, s28, $0x38;
	[tilespmem:$0x18000] =	vst v63  }
0x185: {  	s24 =	sadd.s32 $0x12C00, s0;
	s25 =	sadd.s32 $0x2C0, s1  }
0x186: {  	[hbm4b:s25+s28] =	stream.strided.scatter [tilespmem:s24], [sflag:$0x2], $0x400, s29, s28, $0x38;
	[tilespmem:$0x18000] =	vst v63  }
0x187: {  	s24 =	sadd.s32 $0x13000, s0;
	s25 =	sadd.s32 $0x300, s1  }
0x188: {  	[hbm4b:s25+s28] =	stream.strided.scatter [tilespmem:s24], [sflag:$0x2], $0x400, s29, s28, $0x38;
	[tilespmem:$0x18000] =	vst v63  }
0x189: {  	p1 =	por p0, p0;
	s24 =	sadd.s32 $0x13400, s0;
	s25 =	sadd.s32 $0x340, s1  }
0x18a: {  	[hbm4b:s25+s28] =	stream.strided.scatter [tilespmem:s24], [sflag:$0x2], $0x400, s29, s28, $0x38;
	[tilespmem:$0x18000] =	vst v63  }
.Ltmp9:
0x18b: {  	s24 =	sadd.s32 $0x13800, s0;
	s25 =	sadd.s32 $0x380, s1;
	(pc) =	sbr.rel @p1 .LBB2_20-.Ltmp9, $4  }
0x18c: {  	[hbm4b:s25+s28] =	stream.strided.scatter [tilespmem:s24], [sflag:$0x2], $0x400, s29, s28, $0x38;
	[tilespmem:$0x18000] =	vst v63  }
0x18d: {  	s0 =	sadd.s32 $0x13C00, s0;
	s1 =	sadd.s32 $0x3C0, s1  }
0x18e: {  	[hbm4b:s1+s28] =	stream.strided.scatter [tilespmem:s0], [sflag:$0x2], $0x400, s29, s28, $0x38;
	[tilespmem:$0x18000] =	vst v63  }
0x18f: {  	p0 =	por $0x0, $0x0;
	s1 =	simm.s32 $0x1  }
0x190: {  	s1 =	simm.s32 $0x0;
	p0 =	por $0x1, $0x1  }
.LBB2_22:
0x191: {  	s0 =	sshll.u32 s1, $0xE  }
0x192: {  	s25 =	sshll.u32 s1, $0xD;
	s0 =	sand.u32 $0x3FFFC000, s0  }
0x193: {  	s1 =	sadd.s32 s25, s17;
	s24 =	sadd.s32 $0x10000, s0  }
0x194: {  	[hbm4b:s1+s28] =	stream.strided.scatter [tilespmem:s24], [sflag:$0x2], $0x400, s29, s28, $0x38;
	[tilespmem:$0x18000] =	vst v63  }
0x195: {  	s25 =	sadd.s32 $0x40, s1;
	s24 =	sadd.s32 $0x10400, s0  }
0x196: {  	[hbm4b:s25+s28] =	stream.strided.scatter [tilespmem:s24], [sflag:$0x2], $0x400, s29, s28, $0x38;
	[tilespmem:$0x18000] =	vst v63  }
0x197: {  	s24 =	sadd.s32 $0x10800, s0;
	s25 =	sadd.s32 $0x80, s1  }
0x198: {  	[hbm4b:s25+s28] =	stream.strided.scatter [tilespmem:s24], [sflag:$0x2], $0x400, s29, s28, $0x38;
	[tilespmem:$0x18000] =	vst v63  }
0x199: {  	s24 =	sadd.s32 $0x10C00, s0;
	s25 =	sadd.s32 $0xC0, s1  }
0x19a: {  	[hbm4b:s25+s28] =	stream.strided.scatter [tilespmem:s24], [sflag:$0x2], $0x400, s29, s28, $0x38;
	[tilespmem:$0x18000] =	vst v63  }
0x19b: {  	s24 =	sadd.s32 $0x11000, s0;
	s25 =	sadd.s32 $0x100, s1  }
0x19c: {  	[hbm4b:s25+s28] =	stream.strided.scatter [tilespmem:s24], [sflag:$0x2], $0x400, s29, s28, $0x38;
	[tilespmem:$0x18000] =	vst v63  }
0x19d: {  	s24 =	sadd.s32 $0x11400, s0;
	s25 =	sadd.s32 $0x140, s1  }
0x19e: {  	[hbm4b:s25+s28] =	stream.strided.scatter [tilespmem:s24], [sflag:$0x2], $0x400, s29, s28, $0x38;
	[tilespmem:$0x18000] =	vst v63  }
0x19f: {  	s24 =	sadd.s32 $0x11800, s0;
	s25 =	sadd.s32 $0x180, s1  }
0x1a0: {  	[hbm4b:s25+s28] =	stream.strided.scatter [tilespmem:s24], [sflag:$0x2], $0x400, s29, s28, $0x38;
	[tilespmem:$0x18000] =	vst v63  }
0x1a1: {  	s24 =	sadd.s32 $0x11C00, s0;
	s25 =	sadd.s32 $0x1C0, s1  }
0x1a2: {  	[hbm4b:s25+s28] =	stream.strided.scatter [tilespmem:s24], [sflag:$0x2], $0x400, s29, s28, $0x38;
	[tilespmem:$0x18000] =	vst v63  }
0x1a3: {  	s24 =	sadd.s32 $0x12000, s0;
	s25 =	sadd.s32 $0x200, s1  }
0x1a4: {  	[hbm4b:s25+s28] =	stream.strided.scatter [tilespmem:s24], [sflag:$0x2], $0x400, s29, s28, $0x38;
	[tilespmem:$0x18000] =	vst v63  }
0x1a5: {  	s24 =	sadd.s32 $0x12400, s0;
	s25 =	sadd.s32 $0x240, s1  }
0x1a6: {  	[hbm4b:s25+s28] =	stream.strided.scatter [tilespmem:s24], [sflag:$0x2], $0x400, s29, s28, $0x38;
	[tilespmem:$0x18000] =	vst v63  }
0x1a7: {  	s24 =	sadd.s32 $0x12800, s0;
	s25 =	sadd.s32 $0x280, s1  }
0x1a8: {  	[hbm4b:s25+s28] =	stream.strided.scatter [tilespmem:s24], [sflag:$0x2], $0x400, s29, s28, $0x38;
	[tilespmem:$0x18000] =	vst v63  }
0x1a9: {  	s24 =	sadd.s32 $0x12C00, s0;
	s25 =	sadd.s32 $0x2C0, s1  }
0x1aa: {  	[hbm4b:s25+s28] =	stream.strided.scatter [tilespmem:s24], [sflag:$0x2], $0x400, s29, s28, $0x38;
	[tilespmem:$0x18000] =	vst v63  }
0x1ab: {  	s24 =	sadd.s32 $0x13000, s0;
	s25 =	sadd.s32 $0x300, s1  }
0x1ac: {  	[hbm4b:s25+s28] =	stream.strided.scatter [tilespmem:s24], [sflag:$0x2], $0x400, s29, s28, $0x38;
	[tilespmem:$0x18000] =	vst v63  }
0x1ad: {  	p1 =	por p0, p0;
	s24 =	sadd.s32 $0x13400, s0;
	s25 =	sadd.s32 $0x340, s1  }
0x1ae: {  	[hbm4b:s25+s28] =	stream.strided.scatter [tilespmem:s24], [sflag:$0x2], $0x400, s29, s28, $0x38;
	[tilespmem:$0x18000] =	vst v63  }
.Ltmp10:
0x1af: {  	s24 =	sadd.s32 $0x13800, s0;
	s25 =	sadd.s32 $0x380, s1;
	(pc) =	sbr.rel @p1 .LBB2_22-.Ltmp10, $4  }
0x1b0: {  	[hbm4b:s25+s28] =	stream.strided.scatter [tilespmem:s24], [sflag:$0x2], $0x400, s29, s28, $0x38;
	[tilespmem:$0x18000] =	vst v63  }
0x1b1: {  	s0 =	sadd.s32 $0x13C00, s0;
	s1 =	sadd.s32 $0x3C0, s1  }
0x1b2: {  	[hbm4b:s1+s28] =	stream.strided.scatter [tilespmem:s0], [sflag:$0x2], $0x400, s29, s28, $0x38;
	[tilespmem:$0x18000] =	vst v63  }
0x1b3: {  	p0 =	por $0x0, $0x0;
	s1 =	simm.s32 $0x1  }
0x1b4: {  	s1 =	simm.s32 $0x0;
	p0 =	por $0x1, $0x1  }
.LBB2_24:
0x1b5: {  	s0 =	sshll.u32 s1, $0xE  }
0x1b6: {  	s25 =	sshll.u32 s1, $0xD;
	s0 =	sand.u32 $0x3FFFC000, s0  }
0x1b7: {  	s1 =	sadd.s32 s25, s18;
	s24 =	sadd.s32 $0x10000, s0  }
0x1b8: {  	[hbm4b:s1+s28] =	stream.strided.scatter [tilespmem:s24], [sflag:$0x2], $0x400, s29, s28, $0x38;
	[tilespmem:$0x18000] =	vst v63  }
0x1b9: {  	s25 =	sadd.s32 $0x40, s1;
	s24 =	sadd.s32 $0x10400, s0  }
0x1ba: {  	[hbm4b:s25+s28] =	stream.strided.scatter [tilespmem:s24], [sflag:$0x2], $0x400, s29, s28, $0x38;
	[tilespmem:$0x18000] =	vst v63  }
0x1bb: {  	s24 =	sadd.s32 $0x10800, s0;
	s25 =	sadd.s32 $0x80, s1  }
0x1bc: {  	[hbm4b:s25+s28] =	stream.strided.scatter [tilespmem:s24], [sflag:$0x2], $0x400, s29, s28, $0x38;
	[tilespmem:$0x18000] =	vst v63  }
0x1bd: {  	s24 =	sadd.s32 $0x10C00, s0;
	s25 =	sadd.s32 $0xC0, s1  }
0x1be: {  	[hbm4b:s25+s28] =	stream.strided.scatter [tilespmem:s24], [sflag:$0x2], $0x400, s29, s28, $0x38;
	[tilespmem:$0x18000] =	vst v63  }
0x1bf: {  	s24 =	sadd.s32 $0x11000, s0;
	s25 =	sadd.s32 $0x100, s1  }
0x1c0: {  	[hbm4b:s25+s28] =	stream.strided.scatter [tilespmem:s24], [sflag:$0x2], $0x400, s29, s28, $0x38;
	[tilespmem:$0x18000] =	vst v63  }
0x1c1: {  	s24 =	sadd.s32 $0x11400, s0;
	s25 =	sadd.s32 $0x140, s1  }
0x1c2: {  	[hbm4b:s25+s28] =	stream.strided.scatter [tilespmem:s24], [sflag:$0x2], $0x400, s29, s28, $0x38;
	[tilespmem:$0x18000] =	vst v63  }
0x1c3: {  	s24 =	sadd.s32 $0x11800, s0;
	s25 =	sadd.s32 $0x180, s1  }
0x1c4: {  	[hbm4b:s25+s28] =	stream.strided.scatter [tilespmem:s24], [sflag:$0x2], $0x400, s29, s28, $0x38;
	[tilespmem:$0x18000] =	vst v63  }
0x1c5: {  	s24 =	sadd.s32 $0x11C00, s0;
	s25 =	sadd.s32 $0x1C0, s1  }
0x1c6: {  	[hbm4b:s25+s28] =	stream.strided.scatter [tilespmem:s24], [sflag:$0x2], $0x400, s29, s28, $0x38;
	[tilespmem:$0x18000] =	vst v63  }
0x1c7: {  	s24 =	sadd.s32 $0x12000, s0;
	s25 =	sadd.s32 $0x200, s1  }
0x1c8: {  	[hbm4b:s25+s28] =	stream.strided.scatter [tilespmem:s24], [sflag:$0x2], $0x400, s29, s28, $0x38;
	[tilespmem:$0x18000] =	vst v63  }
0x1c9: {  	s24 =	sadd.s32 $0x12400, s0;
	s25 =	sadd.s32 $0x240, s1  }
0x1ca: {  	[hbm4b:s25+s28] =	stream.strided.scatter [tilespmem:s24], [sflag:$0x2], $0x400, s29, s28, $0x38;
	[tilespmem:$0x18000] =	vst v63  }
0x1cb: {  	s24 =	sadd.s32 $0x12800, s0;
	s25 =	sadd.s32 $0x280, s1  }
0x1cc: {  	[hbm4b:s25+s28] =	stream.strided.scatter [tilespmem:s24], [sflag:$0x2], $0x400, s29, s28, $0x38;
	[tilespmem:$0x18000] =	vst v63  }
0x1cd: {  	s24 =	sadd.s32 $0x12C00, s0;
	s25 =	sadd.s32 $0x2C0, s1  }
0x1ce: {  	[hbm4b:s25+s28] =	stream.strided.scatter [tilespmem:s24], [sflag:$0x2], $0x400, s29, s28, $0x38;
	[tilespmem:$0x18000] =	vst v63  }
0x1cf: {  	s24 =	sadd.s32 $0x13000, s0;
	s25 =	sadd.s32 $0x300, s1  }
0x1d0: {  	[hbm4b:s25+s28] =	stream.strided.scatter [tilespmem:s24], [sflag:$0x2], $0x400, s29, s28, $0x38;
	[tilespmem:$0x18000] =	vst v63  }
0x1d1: {  	p1 =	por p0, p0;
	s24 =	sadd.s32 $0x13400, s0;
	s25 =	sadd.s32 $0x340, s1  }
0x1d2: {  	[hbm4b:s25+s28] =	stream.strided.scatter [tilespmem:s24], [sflag:$0x2], $0x400, s29, s28, $0x38;
	[tilespmem:$0x18000] =	vst v63  }
.Ltmp11:
0x1d3: {  	s24 =	sadd.s32 $0x13800, s0;
	s25 =	sadd.s32 $0x380, s1;
	(pc) =	sbr.rel @p1 .LBB2_24-.Ltmp11, $4  }
0x1d4: {  	[hbm4b:s25+s28] =	stream.strided.scatter [tilespmem:s24], [sflag:$0x2], $0x400, s29, s28, $0x38;
	[tilespmem:$0x18000] =	vst v63  }
0x1d5: {  	s0 =	sadd.s32 $0x13C00, s0;
	s1 =	sadd.s32 $0x3C0, s1  }
0x1d6: {  	[hbm4b:s1+s28] =	stream.strided.scatter [tilespmem:s0], [sflag:$0x2], $0x400, s29, s28, $0x38;
	[tilespmem:$0x18000] =	vst v63  }
0x1d7: {  	p0 =	por $0x0, $0x0;
	s1 =	simm.s32 $0x1  }
0x1d8: {  	_ =	swait.ge [sflag:s26], $0x8000  }
0x1d9: {  	[sflag:s26] =	ssyncset.done $0x0  }
0x1da: {  	s1 =	simm.s32 $0x0;
	p0 =	por $0x1, $0x1;
	[sflag:s26] =	ssyncadd.s32 $0xFFFF8000  }
.LBB2_26:
0x1db: {  	s0 =	sshll.u32 s1, $0xE;
	s25 =	sshll.u32 s1, $0xD  }
0x1dc: {  	s0 =	sand.u32 $0x3FFFC000, s0;
	s1 =	sadd.s32 s25, s19  }
0x1dd: {  	[hbm4b:s1+s28] =	stream.strided.scatter [tilespmem:s0], [sflag:$0x2], $0x400, s29, s28, $0x38;
	[tilespmem:$0x18000] =	vst v63  }
0x1de: {  	s24 =	sor.u32 $0x400, s0;
	s25 =	sadd.s32 $0x40, s1  }
0x1df: {  	[hbm4b:s25+s28] =	stream.strided.scatter [tilespmem:s24], [sflag:$0x2], $0x400, s29, s28, $0x38;
	[tilespmem:$0x18000] =	vst v63  }
0x1e0: {  	s24 =	sor.u32 $0x800, s0;
	s25 =	sadd.s32 $0x80, s1  }
0x1e1: {  	[hbm4b:s25+s28] =	stream.strided.scatter [tilespmem:s24], [sflag:$0x2], $0x400, s29, s28, $0x38;
	[tilespmem:$0x18000] =	vst v63  }
0x1e2: {  	s24 =	sor.u32 $0xC00, s0;
	s25 =	sadd.s32 $0xC0, s1  }
0x1e3: {  	[hbm4b:s25+s28] =	stream.strided.scatter [tilespmem:s24], [sflag:$0x2], $0x400, s29, s28, $0x38;
	[tilespmem:$0x18000] =	vst v63  }
0x1e4: {  	s24 =	sor.u32 $0x1000, s0;
	s25 =	sadd.s32 $0x100, s1  }
0x1e5: {  	[hbm4b:s25+s28] =	stream.strided.scatter [tilespmem:s24], [sflag:$0x2], $0x400, s29, s28, $0x38;
	[tilespmem:$0x18000] =	vst v63  }
0x1e6: {  	s24 =	sor.u32 $0x1400, s0;
	s25 =	sadd.s32 $0x140, s1  }
0x1e7: {  	[hbm4b:s25+s28] =	stream.strided.scatter [tilespmem:s24], [sflag:$0x2], $0x400, s29, s28, $0x38;
	[tilespmem:$0x18000] =	vst v63  }
0x1e8: {  	s24 =	sor.u32 $0x1800, s0;
	s25 =	sadd.s32 $0x180, s1  }
0x1e9: {  	[hbm4b:s25+s28] =	stream.strided.scatter [tilespmem:s24], [sflag:$0x2], $0x400, s29, s28, $0x38;
	[tilespmem:$0x18000] =	vst v63  }
0x1ea: {  	s24 =	sor.u32 $0x1C00, s0;
	s25 =	sadd.s32 $0x1C0, s1  }
0x1eb: {  	[hbm4b:s25+s28] =	stream.strided.scatter [tilespmem:s24], [sflag:$0x2], $0x400, s29, s28, $0x38;
	[tilespmem:$0x18000] =	vst v63  }
0x1ec: {  	s24 =	sor.u32 $0x2000, s0;
	s25 =	sadd.s32 $0x200, s1  }
0x1ed: {  	[hbm4b:s25+s28] =	stream.strided.scatter [tilespmem:s24], [sflag:$0x2], $0x400, s29, s28, $0x38;
	[tilespmem:$0x18000] =	vst v63  }
0x1ee: {  	s24 =	sor.u32 $0x2400, s0;
	s25 =	sadd.s32 $0x240, s1  }
0x1ef: {  	[hbm4b:s25+s28] =	stream.strided.scatter [tilespmem:s24], [sflag:$0x2], $0x400, s29, s28, $0x38;
	[tilespmem:$0x18000] =	vst v63  }
0x1f0: {  	s24 =	sor.u32 $0x2800, s0;
	s25 =	sadd.s32 $0x280, s1  }
0x1f1: {  	[hbm4b:s25+s28] =	stream.strided.scatter [tilespmem:s24], [sflag:$0x2], $0x400, s29, s28, $0x38;
	[tilespmem:$0x18000] =	vst v63  }
0x1f2: {  	s24 =	sor.u32 $0x2C00, s0;
	s25 =	sadd.s32 $0x2C0, s1  }
0x1f3: {  	[hbm4b:s25+s28] =	stream.strided.scatter [tilespmem:s24], [sflag:$0x2], $0x400, s29, s28, $0x38;
	[tilespmem:$0x18000] =	vst v63  }
0x1f4: {  	s24 =	sor.u32 $0x3000, s0;
	s25 =	sadd.s32 $0x300, s1  }
0x1f5: {  	[hbm4b:s25+s28] =	stream.strided.scatter [tilespmem:s24], [sflag:$0x2], $0x400, s29, s28, $0x38;
	[tilespmem:$0x18000] =	vst v63  }
0x1f6: {  	p1 =	por p0, p0;
	s24 =	sor.u32 $0x3400, s0;
	s25 =	sadd.s32 $0x340, s1  }
0x1f7: {  	[hbm4b:s25+s28] =	stream.strided.scatter [tilespmem:s24], [sflag:$0x2], $0x400, s29, s28, $0x38;
	[tilespmem:$0x18000] =	vst v63  }
.Ltmp12:
0x1f8: {  	s24 =	sor.u32 $0x3800, s0;
	s25 =	sadd.s32 $0x380, s1;
	(pc) =	sbr.rel @p1 .LBB2_26-.Ltmp12, $4  }
0x1f9: {  	[hbm4b:s25+s28] =	stream.strided.scatter [tilespmem:s24], [sflag:$0x2], $0x400, s29, s28, $0x38;
	[tilespmem:$0x18000] =	vst v63  }
0x1fa: {  	s0 =	sor.u32 $0x3C00, s0;
	s1 =	sadd.s32 $0x3C0, s1  }
0x1fb: {  	[hbm4b:s1+s28] =	stream.strided.scatter [tilespmem:s0], [sflag:$0x2], $0x400, s29, s28, $0x38;
	[tilespmem:$0x18000] =	vst v63  }
0x1fc: {  	p0 =	por $0x0, $0x0;
	s1 =	simm.s32 $0x1  }
0x1fd: {  	s1 =	simm.s32 $0x0;
	p0 =	por $0x1, $0x1  }
.LBB2_28:
0x1fe: {  	s0 =	sshll.u32 s1, $0xE;
	s25 =	sshll.u32 s1, $0xD  }
0x1ff: {  	s0 =	sand.u32 $0x3FFFC000, s0;
	s1 =	sadd.s32 s25, s20  }
0x200: {  	[hbm4b:s1+s28] =	stream.strided.scatter [tilespmem:s0], [sflag:$0x2], $0x400, s29, s28, $0x38;
	[tilespmem:$0x18000] =	vst v63  }
0x201: {  	s24 =	sor.u32 $0x400, s0;
	s25 =	sadd.s32 $0x40, s1  }
0x202: {  	[hbm4b:s25+s28] =	stream.strided.scatter [tilespmem:s24], [sflag:$0x2], $0x400, s29, s28, $0x38;
	[tilespmem:$0x18000] =	vst v63  }
0x203: {  	s24 =	sor.u32 $0x800, s0;
	s25 =	sadd.s32 $0x80, s1  }
0x204: {  	[hbm4b:s25+s28] =	stream.strided.scatter [tilespmem:s24], [sflag:$0x2], $0x400, s29, s28, $0x38;
	[tilespmem:$0x18000] =	vst v63  }
0x205: {  	s24 =	sor.u32 $0xC00, s0;
	s25 =	sadd.s32 $0xC0, s1  }
0x206: {  	[hbm4b:s25+s28] =	stream.strided.scatter [tilespmem:s24], [sflag:$0x2], $0x400, s29, s28, $0x38;
	[tilespmem:$0x18000] =	vst v63  }
0x207: {  	s24 =	sor.u32 $0x1000, s0;
	s25 =	sadd.s32 $0x100, s1  }
0x208: {  	[hbm4b:s25+s28] =	stream.strided.scatter [tilespmem:s24], [sflag:$0x2], $0x400, s29, s28, $0x38;
	[tilespmem:$0x18000] =	vst v63  }
0x209: {  	s24 =	sor.u32 $0x1400, s0;
	s25 =	sadd.s32 $0x140, s1  }
0x20a: {  	[hbm4b:s25+s28] =	stream.strided.scatter [tilespmem:s24], [sflag:$0x2], $0x400, s29, s28, $0x38;
	[tilespmem:$0x18000] =	vst v63  }
0x20b: {  	s24 =	sor.u32 $0x1800, s0;
	s25 =	sadd.s32 $0x180, s1  }
0x20c: {  	[hbm4b:s25+s28] =	stream.strided.scatter [tilespmem:s24], [sflag:$0x2], $0x400, s29, s28, $0x38;
	[tilespmem:$0x18000] =	vst v63  }
0x20d: {  	s24 =	sor.u32 $0x1C00, s0;
	s25 =	sadd.s32 $0x1C0, s1  }
0x20e: {  	[hbm4b:s25+s28] =	stream.strided.scatter [tilespmem:s24], [sflag:$0x2], $0x400, s29, s28, $0x38;
	[tilespmem:$0x18000] =	vst v63  }
0x20f: {  	s24 =	sor.u32 $0x2000, s0;
	s25 =	sadd.s32 $0x200, s1  }
0x210: {  	[hbm4b:s25+s28] =	stream.strided.scatter [tilespmem:s24], [sflag:$0x2], $0x400, s29, s28, $0x38;
	[tilespmem:$0x18000] =	vst v63  }
0x211: {  	s24 =	sor.u32 $0x2400, s0;
	s25 =	sadd.s32 $0x240, s1  }
0x212: {  	[hbm4b:s25+s28] =	stream.strided.scatter [tilespmem:s24], [sflag:$0x2], $0x400, s29, s28, $0x38;
	[tilespmem:$0x18000] =	vst v63  }
0x213: {  	s24 =	sor.u32 $0x2800, s0;
	s25 =	sadd.s32 $0x280, s1  }
0x214: {  	[hbm4b:s25+s28] =	stream.strided.scatter [tilespmem:s24], [sflag:$0x2], $0x400, s29, s28, $0x38;
	[tilespmem:$0x18000] =	vst v63  }
0x215: {  	s24 =	sor.u32 $0x2C00, s0;
	s25 =	sadd.s32 $0x2C0, s1  }
0x216: {  	[hbm4b:s25+s28] =	stream.strided.scatter [tilespmem:s24], [sflag:$0x2], $0x400, s29, s28, $0x38;
	[tilespmem:$0x18000] =	vst v63  }
0x217: {  	s24 =	sor.u32 $0x3000, s0;
	s25 =	sadd.s32 $0x300, s1  }
0x218: {  	[hbm4b:s25+s28] =	stream.strided.scatter [tilespmem:s24], [sflag:$0x2], $0x400, s29, s28, $0x38;
	[tilespmem:$0x18000] =	vst v63  }
0x219: {  	p1 =	por p0, p0;
	s24 =	sor.u32 $0x3400, s0;
	s25 =	sadd.s32 $0x340, s1  }
0x21a: {  	[hbm4b:s25+s28] =	stream.strided.scatter [tilespmem:s24], [sflag:$0x2], $0x400, s29, s28, $0x38;
	[tilespmem:$0x18000] =	vst v63  }
.Ltmp13:
0x21b: {  	s24 =	sor.u32 $0x3800, s0;
	s25 =	sadd.s32 $0x380, s1;
	(pc) =	sbr.rel @p1 .LBB2_28-.Ltmp13, $4  }
0x21c: {  	[hbm4b:s25+s28] =	stream.strided.scatter [tilespmem:s24], [sflag:$0x2], $0x400, s29, s28, $0x38;
	[tilespmem:$0x18000] =	vst v63  }
0x21d: {  	s0 =	sor.u32 $0x3C00, s0;
	s1 =	sadd.s32 $0x3C0, s1  }
0x21e: {  	[hbm4b:s1+s28] =	stream.strided.scatter [tilespmem:s0], [sflag:$0x2], $0x400, s29, s28, $0x38;
	[tilespmem:$0x18000] =	vst v63  }
0x21f: {  	p0 =	por $0x0, $0x0;
	s1 =	simm.s32 $0x1  }
0x220: {  	s1 =	simm.s32 $0x0;
	p0 =	por $0x1, $0x1  }
.LBB2_30:
0x221: {  	s0 =	sshll.u32 s1, $0xE;
	s25 =	sshll.u32 s1, $0xD  }
0x222: {  	s0 =	sand.u32 $0x3FFFC000, s0;
	s1 =	sadd.s32 s25, s21  }
0x223: {  	[hbm4b:s1+s28] =	stream.strided.scatter [tilespmem:s0], [sflag:$0x2], $0x400, s29, s28, $0x38;
	[tilespmem:$0x18000] =	vst v63  }
0x224: {  	s24 =	sor.u32 $0x400, s0;
	s25 =	sadd.s32 $0x40, s1  }
0x225: {  	[hbm4b:s25+s28] =	stream.strided.scatter [tilespmem:s24], [sflag:$0x2], $0x400, s29, s28, $0x38;
	[tilespmem:$0x18000] =	vst v63  }
0x226: {  	s24 =	sor.u32 $0x800, s0;
	s25 =	sadd.s32 $0x80, s1  }
0x227: {  	[hbm4b:s25+s28] =	stream.strided.scatter [tilespmem:s24], [sflag:$0x2], $0x400, s29, s28, $0x38;
	[tilespmem:$0x18000] =	vst v63  }
0x228: {  	s24 =	sor.u32 $0xC00, s0;
	s25 =	sadd.s32 $0xC0, s1  }
0x229: {  	[hbm4b:s25+s28] =	stream.strided.scatter [tilespmem:s24], [sflag:$0x2], $0x400, s29, s28, $0x38;
	[tilespmem:$0x18000] =	vst v63  }
0x22a: {  	s24 =	sor.u32 $0x1000, s0;
	s25 =	sadd.s32 $0x100, s1  }
0x22b: {  	[hbm4b:s25+s28] =	stream.strided.scatter [tilespmem:s24], [sflag:$0x2], $0x400, s29, s28, $0x38;
	[tilespmem:$0x18000] =	vst v63  }
0x22c: {  	s24 =	sor.u32 $0x1400, s0;
	s25 =	sadd.s32 $0x140, s1  }
0x22d: {  	[hbm4b:s25+s28] =	stream.strided.scatter [tilespmem:s24], [sflag:$0x2], $0x400, s29, s28, $0x38;
	[tilespmem:$0x18000] =	vst v63  }
0x22e: {  	s24 =	sor.u32 $0x1800, s0;
	s25 =	sadd.s32 $0x180, s1  }
0x22f: {  	[hbm4b:s25+s28] =	stream.strided.scatter [tilespmem:s24], [sflag:$0x2], $0x400, s29, s28, $0x38;
	[tilespmem:$0x18000] =	vst v63  }
0x230: {  	s24 =	sor.u32 $0x1C00, s0;
	s25 =	sadd.s32 $0x1C0, s1  }
0x231: {  	[hbm4b:s25+s28] =	stream.strided.scatter [tilespmem:s24], [sflag:$0x2], $0x400, s29, s28, $0x38;
	[tilespmem:$0x18000] =	vst v63  }
0x232: {  	s24 =	sor.u32 $0x2000, s0;
	s25 =	sadd.s32 $0x200, s1  }
0x233: {  	[hbm4b:s25+s28] =	stream.strided.scatter [tilespmem:s24], [sflag:$0x2], $0x400, s29, s28, $0x38;
	[tilespmem:$0x18000] =	vst v63  }
0x234: {  	s24 =	sor.u32 $0x2400, s0;
	s25 =	sadd.s32 $0x240, s1  }
0x235: {  	[hbm4b:s25+s28] =	stream.strided.scatter [tilespmem:s24], [sflag:$0x2], $0x400, s29, s28, $0x38;
	[tilespmem:$0x18000] =	vst v63  }
0x236: {  	s24 =	sor.u32 $0x2800, s0;
	s25 =	sadd.s32 $0x280, s1  }
0x237: {  	[hbm4b:s25+s28] =	stream.strided.scatter [tilespmem:s24], [sflag:$0x2], $0x400, s29, s28, $0x38;
	[tilespmem:$0x18000] =	vst v63  }
0x238: {  	s24 =	sor.u32 $0x2C00, s0;
	s25 =	sadd.s32 $0x2C0, s1  }
0x239: {  	[hbm4b:s25+s28] =	stream.strided.scatter [tilespmem:s24], [sflag:$0x2], $0x400, s29, s28, $0x38;
	[tilespmem:$0x18000] =	vst v63  }
0x23a: {  	s24 =	sor.u32 $0x3000, s0;
	s25 =	sadd.s32 $0x300, s1  }
0x23b: {  	[hbm4b:s25+s28] =	stream.strided.scatter [tilespmem:s24], [sflag:$0x2], $0x400, s29, s28, $0x38;
	[tilespmem:$0x18000] =	vst v63  }
0x23c: {  	p1 =	por p0, p0;
	s24 =	sor.u32 $0x3400, s0;
	s25 =	sadd.s32 $0x340, s1  }
0x23d: {  	[hbm4b:s25+s28] =	stream.strided.scatter [tilespmem:s24], [sflag:$0x2], $0x400, s29, s28, $0x38;
	[tilespmem:$0x18000] =	vst v63  }
.Ltmp14:
0x23e: {  	s24 =	sor.u32 $0x3800, s0;
	s25 =	sadd.s32 $0x380, s1;
	(pc) =	sbr.rel @p1 .LBB2_30-.Ltmp14, $4  }
0x23f: {  	[hbm4b:s25+s28] =	stream.strided.scatter [tilespmem:s24], [sflag:$0x2], $0x400, s29, s28, $0x38;
	[tilespmem:$0x18000] =	vst v63  }
0x240: {  	s0 =	sor.u32 $0x3C00, s0;
	s1 =	sadd.s32 $0x3C0, s1  }
0x241: {  	[hbm4b:s1+s28] =	stream.strided.scatter [tilespmem:s0], [sflag:$0x2], $0x400, s29, s28, $0x38;
	[tilespmem:$0x18000] =	vst v63  }
0x242: {  	p0 =	por $0x0, $0x0;
	s1 =	simm.s32 $0x1  }
0x243: {  	s1 =	simm.s32 $0x0;
	p0 =	por $0x1, $0x1  }
.LBB2_32:
0x244: {  	s0 =	sshll.u32 s1, $0xE;
	s25 =	sshll.u32 s1, $0xD  }
0x245: {  	s0 =	sand.u32 $0x3FFFC000, s0;
	s1 =	sadd.s32 s25, s22  }
0x246: {  	[hbm4b:s1+s28] =	stream.strided.scatter [tilespmem:s0], [sflag:$0x2], $0x400, s29, s28, $0x38;
	[tilespmem:$0x18000] =	vst v63  }
0x247: {  	s24 =	sor.u32 $0x400, s0;
	s25 =	sadd.s32 $0x40, s1  }
0x248: {  	[hbm4b:s25+s28] =	stream.strided.scatter [tilespmem:s24], [sflag:$0x2], $0x400, s29, s28, $0x38;
	[tilespmem:$0x18000] =	vst v63  }
0x249: {  	s24 =	sor.u32 $0x800, s0;
	s25 =	sadd.s32 $0x80, s1  }
0x24a: {  	[hbm4b:s25+s28] =	stream.strided.scatter [tilespmem:s24], [sflag:$0x2], $0x400, s29, s28, $0x38;
	[tilespmem:$0x18000] =	vst v63  }
0x24b: {  	s24 =	sor.u32 $0xC00, s0;
	s25 =	sadd.s32 $0xC0, s1  }
0x24c: {  	[hbm4b:s25+s28] =	stream.strided.scatter [tilespmem:s24], [sflag:$0x2], $0x400, s29, s28, $0x38;
	[tilespmem:$0x18000] =	vst v63  }
0x24d: {  	s24 =	sor.u32 $0x1000, s0;
	s25 =	sadd.s32 $0x100, s1  }
0x24e: {  	[hbm4b:s25+s28] =	stream.strided.scatter [tilespmem:s24], [sflag:$0x2], $0x400, s29, s28, $0x38;
	[tilespmem:$0x18000] =	vst v63  }
0x24f: {  	s24 =	sor.u32 $0x1400, s0;
	s25 =	sadd.s32 $0x140, s1  }
0x250: {  	[hbm4b:s25+s28] =	stream.strided.scatter [tilespmem:s24], [sflag:$0x2], $0x400, s29, s28, $0x38;
	[tilespmem:$0x18000] =	vst v63  }
0x251: {  	s24 =	sor.u32 $0x1800, s0;
	s25 =	sadd.s32 $0x180, s1  }
0x252: {  	[hbm4b:s25+s28] =	stream.strided.scatter [tilespmem:s24], [sflag:$0x2], $0x400, s29, s28, $0x38;
	[tilespmem:$0x18000] =	vst v63  }
0x253: {  	s24 =	sor.u32 $0x1C00, s0;
	s25 =	sadd.s32 $0x1C0, s1  }
0x254: {  	[hbm4b:s25+s28] =	stream.strided.scatter [tilespmem:s24], [sflag:$0x2], $0x400, s29, s28, $0x38;
	[tilespmem:$0x18000] =	vst v63  }
0x255: {  	s24 =	sor.u32 $0x2000, s0;
	s25 =	sadd.s32 $0x200, s1  }
0x256: {  	[hbm4b:s25+s28] =	stream.strided.scatter [tilespmem:s24], [sflag:$0x2], $0x400, s29, s28, $0x38;
	[tilespmem:$0x18000] =	vst v63  }
0x257: {  	s24 =	sor.u32 $0x2400, s0;
	s25 =	sadd.s32 $0x240, s1  }
0x258: {  	[hbm4b:s25+s28] =	stream.strided.scatter [tilespmem:s24], [sflag:$0x2], $0x400, s29, s28, $0x38;
	[tilespmem:$0x18000] =	vst v63  }
0x259: {  	s24 =	sor.u32 $0x2800, s0;
	s25 =	sadd.s32 $0x280, s1  }
0x25a: {  	[hbm4b:s25+s28] =	stream.strided.scatter [tilespmem:s24], [sflag:$0x2], $0x400, s29, s28, $0x38;
	[tilespmem:$0x18000] =	vst v63  }
0x25b: {  	s24 =	sor.u32 $0x2C00, s0;
	s25 =	sadd.s32 $0x2C0, s1  }
0x25c: {  	[hbm4b:s25+s28] =	stream.strided.scatter [tilespmem:s24], [sflag:$0x2], $0x400, s29, s28, $0x38;
	[tilespmem:$0x18000] =	vst v63  }
0x25d: {  	s24 =	sor.u32 $0x3000, s0;
	s25 =	sadd.s32 $0x300, s1  }
0x25e: {  	[hbm4b:s25+s28] =	stream.strided.scatter [tilespmem:s24], [sflag:$0x2], $0x400, s29, s28, $0x38;
	[tilespmem:$0x18000] =	vst v63  }
0x25f: {  	p1 =	por p0, p0;
	s24 =	sor.u32 $0x3400, s0;
	s25 =	sadd.s32 $0x340, s1  }
0x260: {  	[hbm4b:s25+s28] =	stream.strided.scatter [tilespmem:s24], [sflag:$0x2], $0x400, s29, s28, $0x38;
	[tilespmem:$0x18000] =	vst v63  }
.Ltmp15:
0x261: {  	s24 =	sor.u32 $0x3800, s0;
	s25 =	sadd.s32 $0x380, s1;
	(pc) =	sbr.rel @p1 .LBB2_32-.Ltmp15, $4  }
0x262: {  	[hbm4b:s25+s28] =	stream.strided.scatter [tilespmem:s24], [sflag:$0x2], $0x400, s29, s28, $0x38;
	[tilespmem:$0x18000] =	vst v63  }
0x263: {  	s0 =	sor.u32 $0x3C00, s0;
	s1 =	sadd.s32 $0x3C0, s1  }
0x264: {  	[hbm4b:s1+s28] =	stream.strided.scatter [tilespmem:s0], [sflag:$0x2], $0x400, s29, s28, $0x38;
	[tilespmem:$0x18000] =	vst v63  }
0x265: {  	p0 =	por $0x0, $0x0;
	s1 =	simm.s32 $0x1  }
0x266: {  	_ =	swait.ge [sflag:s30], $0x8000  }
0x267: {  	[sflag:s30] =	ssyncset.done $0x0  }
0x268: {  	[sflag:s30] =	ssyncadd.s32 $0xFFFF8000  }
0x269: {  	_ =	swait.ge [sflag:s30], $0x8000  }
0x26a: {  	[sflag:s30] =	ssyncset.done $0x0  }
0x26b: {  	[sflag:s30] =	ssyncadd.s32 $0xFFFF8000  }
0x26c: {  	_ =	swait.ge [sflag:s30], $0x8000  }
0x26d: {  	[sflag:s30] =	ssyncset.done $0x0  }
0x26e: {  	[sflag:s30] =	ssyncadd.s32 $0xFFFF8000  }
0x26f: {  	_ =	swait.ge [sflag:s30], $0x8000  }
0x270: {  	[sflag:s30] =	ssyncset.done $0x0  }
0x271: {  	[sflag:s30] =	ssyncadd.s32 $0xFFFF8000  }
0x272: {  	_ =	swait.ge [sflag:s30], $0x8000  }
0x273: {  	[sflag:s30] =	ssyncset.done $0x0  }
0x274: {  	[sflag:s30] =	ssyncadd.s32 $0xFFFF8000  }
0x275: {  	_ =	swait.ge [sflag:s30], $0x8000  }
0x276: {  	[sflag:s30] =	ssyncset.done $0x0  }
0x277: {  	[sflag:s30] =	ssyncadd.s32 $0xFFFF8000  }
0x278: {  	_ =	swait.ge [sflag:s30], $0x8000  }
0x279: {  	[sflag:s30] =	ssyncset.done $0x0  }
0x27a: {  	[sflag:s30] =	ssyncadd.s32 $0xFFFF8000  }
0x27b: {  	_ =	swait.ge [sflag:s30], $0x8000  }
0x27c: {  	[sflag:s30] =	ssyncset.done $0x0  }
0x27d: {  	[sflag:s30] =	ssyncadd.s32 $0xFFFF8000  }
0x27e: {  	_ =	swait.ge [sflag:s30], $0x8000  }
0x27f: {  	[sflag:s30] =	ssyncset.done $0x0  }
0x280: {  	[sflag:s30] =	ssyncadd.s32 $0xFFFF8000  }
0x281: {  	_ =	swait.ge [sflag:s30], $0x8000  }
0x282: {  	[sflag:s30] =	ssyncset.done $0x0  }
0x283: {  	s31 =	sadd.s32 $0x1, s31;
	[sflag:s30] =	ssyncadd.s32 $0xFFFF8000  }
0x284: {  	p0 =	sne.s32 s31, s23;
	_ =	swait.ge [sflag:s30], $0x8000  }
.Ltmp16:
0x285: {  	[sflag:s30] =	ssyncset.done $0x0;
	(pc) =	sbr.rel @p0 .LBB2_1-.Ltmp16, $4  }
0x286: {  	[sflag:s30] =	ssyncadd.s32 $0xFFFF8000  }
0x287: {  	_ =	swait.ge [sflag:s30], $0x8000  }
0x288: {  	[sflag:s30] =	ssyncset.done $0x0  }
0x289: {  	[sflag:s30] =	ssyncadd.s32 $0xFFFF8000  }
0x28a: {  	_ =	sfence.sel $0x180000  }
0x28b: {  	[bflag:$0x0] =	sbarrier.arrive $0xFFFF  }
0x28c: {  	_ =	strace $0x90000047  }
0x28d: {  	s0 =	stileid.u32;
	[bflag:$0x2] =	sbarrier.arrive $0xFFFF  }
0x28e: {  	p0 =	sne.s32 s0, $0x0;
	s0 =	rddreg [dreg:$0x2]  }
0x28f: {  	s0 =	sadd.s32 @!p0 $0x100000, s0  }
0x290: {  	[sflag:s0] =	ssyncadd.tile.s32 @!p0 $0x1;
	_ =	shalt  }
.Lfunc_end2:
_tile_overlayer_lowered:
.L_overlay_start_2:
0x291: {  	(tag) =	ssettag $0x2  }
0x292: {  	s0 =	rddreg [dreg:$0x0];
	s2 =	stileid.u32  }
0x293: {  	s1 =	rddreg [dreg:$0x1];
	p0 =	sne.s32 s2, $0x0  }
0x294: {  	s3 =	rddreg [dreg:$0x2];
	[bflag:$0x3] =	sbarrier.arrive $0xFFFF;
	s2 =	simm.s32 @!p0 $0x1C03  }
0x295: {  	[timem:s3], [sflag:s2] =	dma.local @!p0 [hbm:s0], s1  }
0x296: {  	s0 =	simm.s32 @!p0 $0x3  }
0x297: {  	_ =	swait.ge @!p0 [sflag:s0], s1  }
0x298: {  	s1 =	ssub.s32 @!p0 $0x0, s1;
	[sflag:s0] =	ssyncset.done @!p0 $0x0  }
0x299: {  	[sflag:s0] =	ssyncadd.s32 @!p0 s1  }
0x29a: {  	[bflag:$0x3] =	sbarrier.arrive $0xFFFF  }
0x29b: {  	_ =	shalt  }

</sc_bundles>
